<compile_context>
chip_gen: v7x
topology: tpu7x:2x2x1
jax: 0.10.2.dev20260603
libtpu: 0.0.44.dev20260713+nightly
codegen_flags: <defaults>
</compile_context>

<pallas_src>
import functools

import jax
import jax.numpy as jnp
from jax import lax
from jax.experimental import pallas as pl
from jax.experimental.pallas import tpu as pltpu
from jax.experimental.pallas import tpu_sc as plsc

_N = 10000
_E = 320000
_D = 128
_NC = 2
_NS = 16
_NW = _NC * _NS
_NROWS = 10240
_EPW = 10240
_EPAD = _NW * _EPW
_K = 128
_NCHUNK = _EPW // _K
_RPT = _NROWS // _NS


def _sc_mesh():
    return plsc.VectorSubcoreMesh(
        core_axis_name="c", subcore_axis_name="s",
        num_cores=_NC, num_subcores=_NS)


def _sc_deg(dst2):
    @functools.partial(
        pl.kernel,
        out_type=jax.ShapeDtypeStruct((_NW * _NROWS,), jnp.float32),
        mesh=_sc_mesh(),
        compiler_params=pltpu.CompilerParams(needs_layout_passes=False),
        scratch_types=[
            pltpu.VMEM((_EPW,), jnp.int32),
            pltpu.VMEM((_NROWS,), jnp.float32),
        ],
    )
    def k(dst_hbm, out_hbm, idx_v, deg_v):
        c = lax.axis_index("c")
        s = lax.axis_index("s")
        wid = s * _NC + c
        zeros16 = jnp.zeros((16,), jnp.float32)

        def zbody(i, _):
            deg_v[pl.ds(pl.multiple_of(i * 16, 16), 16)] = zeros16
            return 0
        lax.fori_loop(0, _NROWS // 16, zbody, 0)

        pltpu.sync_copy(dst_hbm.at[wid], idx_v)
        ones16 = jnp.ones((16,), jnp.float32)

        def hbody(i, _):
            idx = idx_v[pl.ds(pl.multiple_of(i * 16, 16), 16)]
            plsc.addupdate_scatter(deg_v, [idx], ones16)
            return 0
        lax.fori_loop(0, _EPW // 16, hbody, 0)

        pltpu.sync_copy(
            deg_v,
            out_hbm.at[pl.ds(pl.multiple_of(wid * _NROWS, 1024), _NROWS)])

    return k(dst2)


def _sc_agg(y, src2, dst3, zrows):
    @functools.partial(
        pl.kernel,
        out_type=jax.ShapeDtypeStruct((_NC, _NROWS, _D), jnp.float32),
        mesh=_sc_mesh(),
        compiler_params=pltpu.CompilerParams(needs_layout_passes=False),
        scratch_types=[
            pltpu.VMEM((_EPW,), jnp.int32),
            pltpu.VMEM((_NCHUNK, _K), jnp.int32),
            pltpu.VMEM((_K, _D), jnp.float32),
            pltpu.VMEM_SHARED((_NROWS, _D), jnp.float32),
            pltpu.SemaphoreType.DMA,
        ],
    )
    def k(y_hbm, src_hbm, dst_hbm, z_hbm, out_hbm, src_v, dst_v, buf,
          acc_sh, sem):
        c = lax.axis_index("c")
        s = lax.axis_index("s")
        wid = s * _NC + c
        roff = pl.multiple_of(s * _RPT, 8)
        pltpu.sync_copy(z_hbm.at[pl.ds(roff, _RPT)],
                        acc_sh.at[pl.ds(roff, _RPT)])
        pltpu.sync_copy(src_hbm.at[wid], src_v)
        pltpu.sync_copy(dst_hbm.at[wid], dst_v)
        plsc.subcore_barrier()

        def chunk(j, _):
            eoff = pl.multiple_of(j * _K, _K)
            pltpu.async_copy(
                y_hbm.at[src_v.at[pl.ds(eoff, _K)]], buf, sem).wait()
            pltpu.sync_copy(buf, acc_sh.at[dst_v.at[j]], add=True)
            return 0
        lax.fori_loop(0, _NCHUNK, chunk, 0)

        plsc.subcore_barrier()
        pltpu.sync_copy(acc_sh.at[pl.ds(roff, _RPT)],
                        out_hbm.at[c, pl.ds(roff, _RPT)])

    return k(y, src2, dst3, zrows)


_BLK = 1024


def _tc_first_body(x_ref, w_ref, degT_ref, y_ref, dinv_ref):
    deg = jnp.sum(degT_ref[...], axis=1, keepdims=True) + 1.0
    dinv = lax.rsqrt(deg)
    xw = jnp.dot(x_ref[...], w_ref[...], preferred_element_type=jnp.float32)
    y_ref[...] = xw * dinv
    dinv_ref[...] = dinv


def _tc_first(x_pad, W1, degT):
    return pl.pallas_call(
        _tc_first_body,
        grid=(_NROWS // _BLK,),
        in_specs=[
            pl.BlockSpec((_BLK, _D), lambda i: (i, 0)),
            pl.BlockSpec((_D, _D), lambda i: (0, 0)),
            pl.BlockSpec((_BLK, _NW), lambda i: (i, 0)),
        ],
        out_specs=[
            pl.BlockSpec((_BLK, _D), lambda i: (i, 0)),
            pl.BlockSpec((_BLK, 1), lambda i: (i, 0)),
        ],
        out_shape=[
            jax.ShapeDtypeStruct((_NROWS, _D), jnp.float32),
            jax.ShapeDtypeStruct((_NROWS, 1), jnp.float32),
        ],
    )(x_pad, W1, degT)


def _tc_mid_body(p_ref, y1_ref, dinv_ref, b1_ref, w2_ref, y2_ref):
    agg = p_ref[0] + p_ref[1] + y1_ref[...]
    h = jnp.maximum(agg * dinv_ref[...] + b1_ref[...], 0.0)
    y2_ref[...] = jnp.dot(
        h, w2_ref[...], preferred_element_type=jnp.float32) * dinv_ref[...]


def _tc_mid(p, y1, dinv, b1r, W2):
    return pl.pallas_call(
        _tc_mid_body,
        grid=(_NROWS // _BLK,),
        in_specs=[
            pl.BlockSpec((_NC, _BLK, _D), lambda i: (0, i, 0)),
            pl.BlockSpec((_BLK, _D), lambda i: (i, 0)),
            pl.BlockSpec((_BLK, 1), lambda i: (i, 0)),
            pl.BlockSpec((1, _D), lambda i: (0, 0)),
            pl.BlockSpec((_D, _D), lambda i: (0, 0)),
        ],
        out_specs=pl.BlockSpec((_BLK, _D), lambda i: (i, 0)),
        out_shape=jax.ShapeDtypeStruct((_NROWS, _D), jnp.float32),
    )(p, y1, dinv, b1r, W2)


def _tc_out_body(q_ref, y2_ref, dinv_ref, b2_ref, o_ref):
    agg = q_ref[0] + q_ref[1] + y2_ref[...]
    o_ref[...] = agg * dinv_ref[...] + b2_ref[...]


_OBLK = 1000


def _tc_out(q, y2, dinv, b2r):
    return pl.pallas_call(
        _tc_out_body,
        grid=(_N // _OBLK,),
        in_specs=[
            pl.BlockSpec((_NC, _OBLK, _D), lambda i: (0, i, 0)),
            pl.BlockSpec((_OBLK, _D), lambda i: (i, 0)),
            pl.BlockSpec((_OBLK, 1), lambda i: (i, 0)),
            pl.BlockSpec((1, _D), lambda i: (0, 0)),
        ],
        out_specs=pl.BlockSpec((_OBLK, _D), lambda i: (i, 0)),
        out_shape=jax.ShapeDtypeStruct((_N, _D), jnp.float32),
    )(q, y2, dinv, b2r)


def kernel(x, edge_index, W1, b1, W2, b2):
    src = edge_index[0].astype(jnp.int32)
    dst = edge_index[1].astype(jnp.int32)
    pad = _N + (jnp.arange(_EPAD - _E, dtype=jnp.int32) % (_NROWS - _N))
    src_p = jnp.concatenate([src, pad])
    dst_p = jnp.concatenate([dst, pad])
    src2 = src_p.reshape(_NW, _EPW)
    dst2 = dst_p.reshape(_NW, _EPW)
    dst3 = dst_p.reshape(_NW, _NCHUNK, _K)
    x_pad = jnp.concatenate(
        [x, jnp.zeros((_NROWS - _N, _D), jnp.float32)])
    zrows = jnp.zeros((_NROWS, _D), jnp.float32)

    deg_parts = _sc_deg(dst2).reshape(_NW, _NROWS)
    degT = deg_parts.T
    y1, dinv = _tc_first(x_pad, W1, degT)
    p = _sc_agg(y1, src2, dst3, zrows)
    y2 = _tc_mid(p, y1, dinv, b1.reshape(1, _D), W2)
    q = _sc_agg(y2, src2, dst3, zrows)
    return _tc_out(q, y2, dinv, b2.reshape(1, _D))

# --- scband reference (transcript-rebuilt; emitter-appended) ---
"""Pipeline reference for scband-gnn-13176959664143 (READ-ONLY COPY).

The authoritative reference and input builder live on the scoring server;
editing this copy changes nothing except your own understanding.
"""

import jax, jax.numpy as jnp
import numpy as np

N_NODES = 10000
N_EDGES = 320000
D_IN = 128
D_HID = 128
D_OUT = 128


def setup_inputs(seed: int = 0) -> dict:
    key = jax.random.key(seed)
    k1, k2, k3, k4, k5, k6 = jax.random.split(key, 6)
    x = jax.random.normal(k1, (N_NODES, D_IN), dtype=jnp.float32)
    edge_index = jax.random.randint(k2, (2, N_EDGES), 0, N_NODES, dtype=jnp.int64)
    # GCNConv parameters (glorot-style scaled normals)
    W1 = jax.random.normal(k3, (D_IN, D_HID), dtype=jnp.float32) * (1.0 / np.sqrt(D_IN))
    b1 = jnp.zeros((D_HID,), dtype=jnp.float32)
    W2 = jax.random.normal(k4, (D_HID, D_OUT), dtype=jnp.float32) * (1.0 / np.sqrt(D_HID))
    b2 = jnp.zeros((D_OUT,), dtype=jnp.float32)
    return {"x": x, "edge_index": edge_index, "W1": W1, "b1": b1, "W2": W2, "b2": b2}


def gcn_conv(x, edge_index, W, b):
    num_nodes = x.shape[0]
    xw = x @ W
    src = edge_index[0]
    dst = edge_index[1]
    # add self loops (GCNConv default: add_self_loops=True, normalize=True)
    loop = jnp.arange(num_nodes, dtype=edge_index.dtype)
    src = jnp.concatenate([src, loop])
    dst = jnp.concatenate([dst, loop])
    # symmetric normalization D^{-1/2} (A+I) D^{-1/2}
    deg = jnp.zeros((num_nodes,), dtype=xw.dtype).at[dst].add(1.0)
    dinv = jnp.where(deg > 0, jax.lax.rsqrt(deg), 0.0)
    norm = dinv[src] * dinv[dst]
    msg = xw[src] * norm[:, None]
    out = jnp.zeros((num_nodes, xw.shape[1]), dtype=xw.dtype).at[dst].add(msg)
    return out + b


def reference(x, edge_index, W1, b1, W2, b2):
    h = gcn_conv(x, edge_index, W1, b1)
    h = jax.nn.relu(h)
    out = gcn_conv(h, edge_index, W2, b2)
    return out

if __name__ == "__main__":
    import jax
    _d = setup_inputs()
    print(jax.jit(kernel)(*tuple(_d.values())))

</pallas_src>

<mosaic_0001>
#map = affine_map<(d0, d1) -> (0, 0)>
#map1 = affine_map<(d0, d1) -> (0, 0, 0)>
module attributes {stable_mosaic.version = 14 : i64} {
  func.func @k(%arg0: i32, %arg1: i32, %arg2: memref<10240x128xf32, #tpu.memory_space<hbm>>, %arg3: memref<32x10240xi32, #tpu.memory_space<hbm>>, %arg4: memref<32x80x128xi32, #tpu.memory_space<hbm>>, %arg5: memref<10240x128xf32, #tpu.memory_space<hbm>>, %arg6: memref<2x10240x128xf32, #tpu.memory_space<hbm>>, %arg7: memref<10240xi32, #tpu.memory_space<vmem>>, %arg8: memref<80x128xi32, #tpu.memory_space<vmem>>, %arg9: memref<128x128xf32, #tpu.memory_space<vmem>>, %arg10: memref<10240x128xf32, #tpu.memory_space<vmem_shared>>, %arg11: memref<!tpu.dma_semaphore, #tpu.memory_space<semaphore_mem>>) attributes {dimension_semantics = [#tpu.dimension_semantics<core_parallel>, #tpu.dimension_semantics<subcore_parallel>], iteration_bounds = array<i64: 2, 16>, scalar_prefetch = 0 : i64, scratch_operands = 5 : i64, tpu.core_type = #tpu.core_type<sc_vector_subcore>, window_params = [{transform_indices = #map}, {transform_indices = #map}, {transform_indices = #map1}, {transform_indices = #map}, {transform_indices = #map1}]} {
    %mul3A = arith.constant 2 : i32
    %mul3A_0 = arith.muli %arg1, %mul3A : i32
    %add3A = arith.addi %mul3A_0, %arg0 : i32
    %mul3A_1 = arith.constant 640 : i32
    %mul3A_2 = arith.muli %arg1, %mul3A_1 : i32
    %multiple_of3A = tpu.assume_multiple %mul3A_2, 8 : i32
    "tpu.region"() ({
      %run_scoped3A = tpu.sem_alloc : memref<!tpu.dma_semaphore, #tpu.memory_space<semaphore_mem>>
      %dma_start3A = arith.constant 0 : i32
      %dma_start3A_10 = tpu.memref_slice %arg10[%multiple_of3A, %dma_start3A] : memref<10240x128xf32, #tpu.memory_space<vmem_shared>> -> memref<640x128xf32, #tpu.memory_space<vmem_shared>>
      %dma_start3A_11 = arith.constant 0 : i32
      %dma_start3A_12 = tpu.memref_slice %arg5[%multiple_of3A, %dma_start3A_11] : memref<10240x128xf32, #tpu.memory_space<hbm>> -> memref<640x128xf32, #tpu.memory_space<hbm>>
      tpu.enqueue_dma source(%dma_start3A_12 : memref<640x128xf32, #tpu.memory_space<hbm>>) target(%dma_start3A_10 : memref<640x128xf32, #tpu.memory_space<vmem_shared>>) target_semaphore(%run_scoped3A : memref<!tpu.dma_semaphore, #tpu.memory_space<semaphore_mem>>)
      %dma_wait3A = arith.constant 0 : i32
      %dma_wait3A_13 = tpu.memref_slice %arg10[%multiple_of3A, %dma_wait3A] : memref<10240x128xf32, #tpu.memory_space<vmem_shared>> -> memref<640x128xf32, #tpu.memory_space<vmem_shared>>
      %dma_wait3A_14 = arith.constant 0 : i32
      %dma_wait3A_15 = tpu.memref_slice %arg5[%multiple_of3A, %dma_wait3A_14] : memref<10240x128xf32, #tpu.memory_space<hbm>> -> memref<640x128xf32, #tpu.memory_space<hbm>>
      tpu.wait_dma2 semaphore(%run_scoped3A : memref<!tpu.dma_semaphore, #tpu.memory_space<semaphore_mem>>) src(%dma_wait3A_15 : memref<640x128xf32, #tpu.memory_space<hbm>>) dst(%dma_wait3A_13 : memref<640x128xf32, #tpu.memory_space<vmem_shared>>)
      tpu.yield
    }) : () -> ()
    "tpu.region"() ({
      %run_scoped3A = tpu.sem_alloc : memref<!tpu.dma_semaphore, #tpu.memory_space<semaphore_mem>>
      %dma_start3A = arith.constant 0 : i32
      %dma_start3A_10 = tpu.memref_slice %arg3[%add3A, %dma_start3A] : memref<32x10240xi32, #tpu.memory_space<hbm>> -> memref<1x10240xi32, #tpu.memory_space<hbm>>
      %dma_start3A_11 = tpu.memref_squeeze %dma_start3A_10 : memref<1x10240xi32, #tpu.memory_space<hbm>> -> memref<10240xi32, #tpu.memory_space<hbm>>
      %dma_start3A_12 = arith.constant 0 : i32
      %dma_start3A_13 = tpu.memref_slice %arg3[%add3A, %dma_start3A_12] : memref<32x10240xi32, #tpu.memory_space<hbm>> -> memref<1x10240xi32, #tpu.memory_space<hbm>>
      %dma_start3A_14 = tpu.memref_squeeze %dma_start3A_13 : memref<1x10240xi32, #tpu.memory_space<hbm>> -> memref<10240xi32, #tpu.memory_space<hbm>>
      tpu.enqueue_dma source(%dma_start3A_14 : memref<10240xi32, #tpu.memory_space<hbm>>) target(%arg7 : memref<10240xi32, #tpu.memory_space<vmem>>) target_semaphore(%run_scoped3A : memref<!tpu.dma_semaphore, #tpu.memory_space<semaphore_mem>>)
      %dma_wait3A = arith.constant 0 : i32
      %dma_wait3A_15 = tpu.memref_slice %arg3[%add3A, %dma_wait3A] : memref<32x10240xi32, #tpu.memory_space<hbm>> -> memref<1x10240xi32, #tpu.memory_space<hbm>>
      %dma_wait3A_16 = tpu.memref_squeeze %dma_wait3A_15 : memref<1x10240xi32, #tpu.memory_space<hbm>> -> memref<10240xi32, #tpu.memory_space<hbm>>
      %dma_wait3A_17 = arith.constant 0 : i32
      %dma_wait3A_18 = tpu.memref_slice %arg3[%add3A, %dma_wait3A_17] : memref<32x10240xi32, #tpu.memory_space<hbm>> -> memref<1x10240xi32, #tpu.memory_space<hbm>>
      %dma_wait3A_19 = tpu.memref_squeeze %dma_wait3A_18 : memref<1x10240xi32, #tpu.memory_space<hbm>> -> memref<10240xi32, #tpu.memory_space<hbm>>
      tpu.wait_dma2 semaphore(%run_scoped3A : memref<!tpu.dma_semaphore, #tpu.memory_space<semaphore_mem>>) src(%dma_wait3A_19 : memref<10240xi32, #tpu.memory_space<hbm>>) dst(%arg7 : memref<10240xi32, #tpu.memory_space<vmem>>)
      tpu.yield
    }) : () -> ()
    "tpu.region"() ({
      %run_scoped3A = tpu.sem_alloc : memref<!tpu.dma_semaphore, #tpu.memory_space<semaphore_mem>>
      %dma_start3A = arith.constant 0 : i32
      %dma_start3A_10 = arith.constant 0 : i32
      %dma_start3A_11 = tpu.memref_slice %arg4[%add3A, %dma_start3A, %dma_start3A_10] : memref<32x80x128xi32, #tpu.memory_space<hbm>> -> memref<1x80x128xi32, #tpu.memory_space<hbm>>
      %dma_start3A_12 = tpu.memref_squeeze %dma_start3A_11 : memref<1x80x128xi32, #tpu.memory_space<hbm>> -> memref<80x128xi32, #tpu.memory_space<hbm>>
      %dma_start3A_13 = arith.constant 0 : i32
      %dma_start3A_14 = arith.constant 0 : i32
      %dma_start3A_15 = tpu.memref_slice %arg4[%add3A, %dma_start3A_13, %dma_start3A_14] : memref<32x80x128xi32, #tpu.memory_space<hbm>> -> memref<1x80x128xi32, #tpu.memory_space<hbm>>
      %dma_start3A_16 = tpu.memref_squeeze %dma_start3A_15 : memref<1x80x128xi32, #tpu.memory_space<hbm>> -> memref<80x128xi32, #tpu.memory_space<hbm>>
      tpu.enqueue_dma source(%dma_start3A_16 : memref<80x128xi32, #tpu.memory_space<hbm>>) target(%arg8 : memref<80x128xi32, #tpu.memory_space<vmem>>) target_semaphore(%run_scoped3A : memref<!tpu.dma_semaphore, #tpu.memory_space<semaphore_mem>>)
      %dma_wait3A = arith.constant 0 : i32
      %dma_wait3A_17 = arith.constant 0 : i32
      %dma_wait3A_18 = tpu.memref_slice %arg4[%add3A, %dma_wait3A, %dma_wait3A_17] : memref<32x80x128xi32, #tpu.memory_space<hbm>> -> memref<1x80x128xi32, #tpu.memory_space<hbm>>
      %dma_wait3A_19 = tpu.memref_squeeze %dma_wait3A_18 : memref<1x80x128xi32, #tpu.memory_space<hbm>> -> memref<80x128xi32, #tpu.memory_space<hbm>>
      %dma_wait3A_20 = arith.constant 0 : i32
      %dma_wait3A_21 = arith.constant 0 : i32
      %dma_wait3A_22 = tpu.memref_slice %arg4[%add3A, %dma_wait3A_20, %dma_wait3A_21] : memref<32x80x128xi32, #tpu.memory_space<hbm>> -> memref<1x80x128xi32, #tpu.memory_space<hbm>>
      %dma_wait3A_23 = tpu.memref_squeeze %dma_wait3A_22 : memref<1x80x128xi32, #tpu.memory_space<hbm>> -> memref<80x128xi32, #tpu.memory_space<hbm>>
      tpu.wait_dma2 semaphore(%run_scoped3A : memref<!tpu.dma_semaphore, #tpu.memory_space<semaphore_mem>>) src(%dma_wait3A_23 : memref<80x128xi32, #tpu.memory_space<hbm>>) dst(%arg8 : memref<80x128xi32, #tpu.memory_space<vmem>>)
      tpu.yield
    }) : () -> ()
    %barrier3A = arith.constant 0 : index
    tpu.barrier barrier_id(%barrier3A)
    %scan3A = arith.constant 0 : i32
    %scan3A_3 = arith.constant 0 : i32
    %scan3A_4 = arith.constant 80 : i32
    %scan3A_5 = arith.addi %scan3A_3, %scan3A_4 : i32
    %scan3A_6 = arith.constant 1 : i32
    %scan3A_7 = scf.for %scan3A_10 = %scan3A_3 to %scan3A_5 step %scan3A_6 iter_args(%scan3A_11 = %scan3A) -> (i32)  : i32 {
      %mul3A_12 = arith.constant 128 : i32
      %mul3A_13 = arith.muli %scan3A_10, %mul3A_12 : i32
      %multiple_of3A_14 = tpu.assume_multiple %mul3A_13, 128 : i32
      %dma_start3A = tpu.memref_slice %arg7[%multiple_of3A_14] : memref<10240xi32, #tpu.memory_space<vmem>> -> memref<128xi32, #tpu.memory_space<vmem>>
      %dma_start3A_15 = arith.constant 0 : i32
      %dma_start3A_16 = arith.constant 0 : i32
      %dma_start3A_17 = tpu.memref_slice %arg2[%dma_start3A_15, %dma_start3A_16] : memref<10240x128xf32, #tpu.memory_space<hbm>> -> memref<10240x128xf32, #tpu.memory_space<hbm>>
      tpu.enqueue_indirect_dma source(%dma_start3A_17 : memref<10240x128xf32, #tpu.memory_space<hbm>>) target(%arg9 : memref<128x128xf32, #tpu.memory_space<vmem>>) offsets(%dma_start3A : memref<128xi32, #tpu.memory_space<vmem>>) semaphore(%arg11 : memref<!tpu.dma_semaphore, #tpu.memory_space<semaphore_mem>>)
      %dma_wait3A = tpu.memref_slice %arg7[%multiple_of3A_14] : memref<10240xi32, #tpu.memory_space<vmem>> -> memref<128xi32, #tpu.memory_space<vmem>>
      %dma_wait3A_18 = arith.constant 0 : i32
      %dma_wait3A_19 = arith.constant 0 : i32
      %dma_wait3A_20 = tpu.memref_slice %arg2[%dma_wait3A_18, %dma_wait3A_19] : memref<10240x128xf32, #tpu.memory_space<hbm>> -> memref<10240x128xf32, #tpu.memory_space<hbm>>
      tpu.wait_indirect_dma semaphore(%arg11 : memref<!tpu.dma_semaphore, #tpu.memory_space<semaphore_mem>>) src(%dma_wait3A_20 : memref<10240x128xf32, #tpu.memory_space<hbm>>) dst(%arg9 : memref<128x128xf32, #tpu.memory_space<vmem>>)
      "tpu.region"() ({
        %run_scoped3A = tpu.sem_alloc : memref<!tpu.dma_semaphore, #tpu.memory_space<semaphore_mem>>
        %dma_start3A_22 = arith.constant 0 : i32
        %dma_start3A_23 = tpu.memref_slice %arg8[%scan3A_10, %dma_start3A_22] : memref<80x128xi32, #tpu.memory_space<vmem>> -> memref<1x128xi32, #tpu.memory_space<vmem>>
        %dma_start3A_24 = tpu.memref_squeeze %dma_start3A_23 : memref<1x128xi32, #tpu.memory_space<vmem>> -> memref<128xi32, #tpu.memory_space<vmem>>
        %dma_start3A_25 = arith.constant 0 : i32
        %dma_start3A_26 = arith.constant 0 : i32
        %dma_start3A_27 = tpu.memref_slice %arg10[%dma_start3A_25, %dma_start3A_26] : memref<10240x128xf32, #tpu.memory_space<vmem_shared>> -> memref<10240x128xf32, #tpu.memory_space<vmem_shared>>
        tpu.enqueue_indirect_dma source(%arg9 : memref<128x128xf32, #tpu.memory_space<vmem>>) target(%dma_start3A_27 : memref<10240x128xf32, #tpu.memory_space<vmem_shared>>) offsets(%dma_start3A_24 : memref<128xi32, #tpu.memory_space<vmem>>) semaphore(%run_scoped3A : memref<!tpu.dma_semaphore, #tpu.memory_space<semaphore_mem>>) {add = true}
        %dma_wait3A_28 = arith.constant 0 : i32
        %dma_wait3A_29 = tpu.memref_slice %arg8[%scan3A_10, %dma_wait3A_28] : memref<80x128xi32, #tpu.memory_space<vmem>> -> memref<1x128xi32, #tpu.memory_space<vmem>>
        %dma_wait3A_30 = tpu.memref_squeeze %dma_wait3A_29 : memref<1x128xi32, #tpu.memory_space<vmem>> -> memref<128xi32, #tpu.memory_space<vmem>>
        %dma_wait3A_31 = arith.constant 0 : i32
        %dma_wait3A_32 = arith.constant 0 : i32
        %dma_wait3A_33 = tpu.memref_slice %arg10[%dma_wait3A_31, %dma_wait3A_32] : memref<10240x128xf32, #tpu.memory_space<vmem_shared>> -> memref<10240x128xf32, #tpu.memory_space<vmem_shared>>
        tpu.wait_indirect_dma semaphore(%run_scoped3A : memref<!tpu.dma_semaphore, #tpu.memory_space<semaphore_mem>>) src(%arg9 : memref<128x128xf32, #tpu.memory_space<vmem>>) dst(%dma_wait3A_33 : memref<10240x128xf32, #tpu.memory_space<vmem_shared>>)
        tpu.yield
      }) : () -> ()
      %scan3A_21 = arith.constant 0 : i32
      scf.yield %scan3A_21 : i32
    }
    %scan3A_8 = arith.constant 80 : i32
    %barrier3A_9 = arith.constant 0 : index
    tpu.barrier barrier_id(%barrier3A_9)
    "tpu.region"() ({
      %run_scoped3A = tpu.sem_alloc : memref<!tpu.dma_semaphore, #tpu.memory_space<semaphore_mem>>
      %dma_start3A = arith.constant 0 : i32
      %dma_start3A_10 = tpu.memref_slice %arg6[%arg0, %multiple_of3A, %dma_start3A] : memref<2x10240x128xf32, #tpu.memory_space<hbm>> -> memref<1x640x128xf32, #tpu.memory_space<hbm>>
      %dma_start3A_11 = tpu.memref_squeeze %dma_start3A_10 : memref<1x640x128xf32, #tpu.memory_space<hbm>> -> memref<640x128xf32, #tpu.memory_space<hbm>>
      %dma_start3A_12 = arith.constant 0 : i32
      %dma_start3A_13 = tpu.memref_slice %arg10[%multiple_of3A, %dma_start3A_12] : memref<10240x128xf32, #tpu.memory_space<vmem_shared>> -> memref<640x128xf32, #tpu.memory_space<vmem_shared>>
      tpu.enqueue_dma source(%dma_start3A_13 : memref<640x128xf32, #tpu.memory_space<vmem_shared>>) target(%dma_start3A_11 : memref<640x128xf32, #tpu.memory_space<hbm>>) target_semaphore(%run_scoped3A : memref<!tpu.dma_semaphore, #tpu.memory_space<semaphore_mem>>)
      %dma_wait3A = arith.constant 0 : i32
      %dma_wait3A_14 = tpu.memref_slice %arg6[%arg0, %multiple_of3A, %dma_wait3A] : memref<2x10240x128xf32, #tpu.memory_space<hbm>> -> memref<1x640x128xf32, #tpu.memory_space<hbm>>
      %dma_wait3A_15 = tpu.memref_squeeze %dma_wait3A_14 : memref<1x640x128xf32, #tpu.memory_space<hbm>> -> memref<640x128xf32, #tpu.memory_space<hbm>>
      %dma_wait3A_16 = arith.constant 0 : i32
      %dma_wait3A_17 = tpu.memref_slice %arg10[%multiple_of3A, %dma_wait3A_16] : memref<10240x128xf32, #tpu.memory_space<vmem_shared>> -> memref<640x128xf32, #tpu.memory_space<vmem_shared>>
      tpu.wait_dma2 semaphore(%run_scoped3A : memref<!tpu.dma_semaphore, #tpu.memory_space<semaphore_mem>>) src(%dma_wait3A_17 : memref<640x128xf32, #tpu.memory_space<vmem_shared>>) dst(%dma_wait3A_15 : memref<640x128xf32, #tpu.memory_space<hbm>>)
      tpu.yield
    }) : () -> ()
    return
  }
}

#map = affine_map<(d0, d1) -> (0, 0)>
#map1 = affine_map<(d0, d1) -> (0)>
module attributes {stable_mosaic.version = 14 : i64} {
  func.func @k(%arg0: i32, %arg1: i32, %arg2: memref<32x10240xi32, #tpu.memory_space<hbm>>, %arg3: memref<327680xf32, #tpu.memory_space<hbm>>, %arg4: memref<10240xi32, #tpu.memory_space<vmem>>, %arg5: memref<10240xf32, #tpu.memory_space<vmem>>) attributes {dimension_semantics = [#tpu.dimension_semantics<core_parallel>, #tpu.dimension_semantics<subcore_parallel>], iteration_bounds = array<i64: 2, 16>, scalar_prefetch = 0 : i64, scratch_operands = 2 : i64, tpu.core_type = #tpu.core_type<sc_vector_subcore>, window_params = [{transform_indices = #map}, {transform_indices = #map1}]} {
    %mul3A = arith.constant 2 : i32
    %mul3A_0 = arith.muli %arg1, %mul3A : i32
    %add3A = arith.addi %mul3A_0, %arg0 : i32
    %broadcast_in_dim3A = arith.constant 0.000000e+00 : f32
    %broadcast_in_dim3A_1 = vector.broadcast %broadcast_in_dim3A : f32 to vector<16xf32>
    %scan3A = arith.constant 0 : i32
    %scan3A_2 = arith.constant 0 : i32
    %scan3A_3 = arith.constant 640 : i32
    %scan3A_4 = arith.addi %scan3A_2, %scan3A_3 : i32
    %scan3A_5 = arith.constant 1 : i32
    %scan3A_6 = scf.for %scan3A_19 = %scan3A_2 to %scan3A_4 step %scan3A_5 iter_args(%scan3A_20 = %scan3A) -> (i32)  : i32 {
      %mul3A_21 = arith.constant 16 : i32
      %mul3A_22 = arith.muli %scan3A_19, %mul3A_21 : i32
      %multiple_of3A_23 = tpu.assume_multiple %mul3A_22, 16 : i32
      %swap3A = arith.index_cast %multiple_of3A_23 : i32 to index
      %swap3A_24 = tpu.vector_load %arg5[%swap3A] {strides = array<i32>} : memref<10240xf32, #tpu.memory_space<vmem>>, vector<16xf32>,
      tpu.vector_store %arg5[%swap3A], %broadcast_in_dim3A_1 {strides = array<i32>} : memref<10240xf32, #tpu.memory_space<vmem>>, vector<16xf32>,
      %scan3A_25 = arith.constant 0 : i32
      scf.yield %scan3A_25 : i32
    }
    %scan3A_7 = arith.constant 640 : i32
    "tpu.region"() ({
      %run_scoped3A = tpu.sem_alloc : memref<!tpu.dma_semaphore, #tpu.memory_space<semaphore_mem>>
      %dma_start3A = arith.constant 0 : i32
      %dma_start3A_19 = tpu.memref_slice %arg2[%add3A, %dma_start3A] : memref<32x10240xi32, #tpu.memory_space<hbm>> -> memref<1x10240xi32, #tpu.memory_space<hbm>>
      %dma_start3A_20 = tpu.memref_squeeze %dma_start3A_19 : memref<1x10240xi32, #tpu.memory_space<hbm>> -> memref<10240xi32, #tpu.memory_space<hbm>>
      %dma_start3A_21 = arith.constant 0 : i32
      %dma_start3A_22 = tpu.memref_slice %arg2[%add3A, %dma_start3A_21] : memref<32x10240xi32, #tpu.memory_space<hbm>> -> memref<1x10240xi32, #tpu.memory_space<hbm>>
      %dma_start3A_23 = tpu.memref_squeeze %dma_start3A_22 : memref<1x10240xi32, #tpu.memory_space<hbm>> -> memref<10240xi32, #tpu.memory_space<hbm>>
      tpu.enqueue_dma source(%dma_start3A_23 : memref<10240xi32, #tpu.memory_space<hbm>>) target(%arg4 : memref<10240xi32, #tpu.memory_space<vmem>>) target_semaphore(%run_scoped3A : memref<!tpu.dma_semaphore, #tpu.memory_space<semaphore_mem>>)
      %dma_wait3A = arith.constant 0 : i32
      %dma_wait3A_24 = tpu.memref_slice %arg2[%add3A, %dma_wait3A] : memref<32x10240xi32, #tpu.memory_space<hbm>> -> memref<1x10240xi32, #tpu.memory_space<hbm>>
      %dma_wait3A_25 = tpu.memref_squeeze %dma_wait3A_24 : memref<1x10240xi32, #tpu.memory_space<hbm>> -> memref<10240xi32, #tpu.memory_space<hbm>>
      %dma_wait3A_26 = arith.constant 0 : i32
      %dma_wait3A_27 = tpu.memref_slice %arg2[%add3A, %dma_wait3A_26] : memref<32x10240xi32, #tpu.memory_space<hbm>> -> memref<1x10240xi32, #tpu.memory_space<hbm>>
      %dma_wait3A_28 = tpu.memref_squeeze %dma_wait3A_27 : memref<1x10240xi32, #tpu.memory_space<hbm>> -> memref<10240xi32, #tpu.memory_space<hbm>>
      tpu.wait_dma2 semaphore(%run_scoped3A : memref<!tpu.dma_semaphore, #tpu.memory_space<semaphore_mem>>) src(%dma_wait3A_28 : memref<10240xi32, #tpu.memory_space<hbm>>) dst(%arg4 : memref<10240xi32, #tpu.memory_space<vmem>>)
      tpu.yield
    }) : () -> ()
    %broadcast_in_dim3A_8 = arith.constant 1.000000e+00 : f32
    %broadcast_in_dim3A_9 = vector.broadcast %broadcast_in_dim3A_8 : f32 to vector<16xf32>
    %scan3A_10 = arith.constant 0 : i32
    %scan3A_11 = arith.constant 0 : i32
    %scan3A_12 = arith.constant 640 : i32
    %scan3A_13 = arith.addi %scan3A_11, %scan3A_12 : i32
    %scan3A_14 = arith.constant 1 : i32
    %scan3A_15 = scf.for %scan3A_19 = %scan3A_11 to %scan3A_13 step %scan3A_14 iter_args(%scan3A_20 = %scan3A_10) -> (i32)  : i32 {
      %mul3A_21 = arith.constant 16 : i32
      %mul3A_22 = arith.muli %scan3A_19, %mul3A_21 : i32
      %multiple_of3A_23 = tpu.assume_multiple %mul3A_22, 16 : i32
      %get3A = arith.index_cast %multiple_of3A_23 : i32 to index
      %get3A_24 = tpu.vector_load %arg4[%get3A] {strides = array<i32>} : memref<10240xi32, #tpu.memory_space<vmem>>, vector<16xi32>,
      tpu.vector_store_idx %arg5[%get3A_24], %broadcast_in_dim3A_9 {add = true} : memref<10240xf32, #tpu.memory_space<vmem>>[vector<16xi32>], vector<16xf32>,
      %scan3A_25 = arith.constant 0 : i32
      scf.yield %scan3A_25 : i32
    }
    %scan3A_16 = arith.constant 640 : i32
    %mul3A_17 = arith.constant 10240 : i32
    %mul3A_18 = arith.muli %add3A, %mul3A_17 : i32
    %multiple_of3A = tpu.assume_multiple %mul3A_18, 1024 : i32
    "tpu.region"() ({
      %run_scoped3A = tpu.sem_alloc : memref<!tpu.dma_semaphore, #tpu.memory_space<semaphore_mem>>
      %dma_start3A = tpu.memref_slice %arg3[%multiple_of3A] : memref<327680xf32, #tpu.memory_space<hbm>> -> memref<10240xf32, #tpu.memory_space<hbm>>
      %dma_start3A_19 = tpu.memref_slice %arg3[%multiple_of3A] : memref<327680xf32, #tpu.memory_space<hbm>> -> memref<10240xf32, #tpu.memory_space<hbm>>
      tpu.enqueue_dma source(%arg5 : memref<10240xf32, #tpu.memory_space<vmem>>) target(%dma_start3A_19 : memref<10240xf32, #tpu.memory_space<hbm>>) target_semaphore(%run_scoped3A : memref<!tpu.dma_semaphore, #tpu.memory_space<semaphore_mem>>)
      %dma_wait3A = tpu.memref_slice %arg3[%multiple_of3A] : memref<327680xf32, #tpu.memory_space<hbm>> -> memref<10240xf32, #tpu.memory_space<hbm>>
      %dma_wait3A_20 = tpu.memref_slice %arg3[%multiple_of3A] : memref<327680xf32, #tpu.memory_space<hbm>> -> memref<10240xf32, #tpu.memory_space<hbm>>
      tpu.wait_dma2 semaphore(%run_scoped3A : memref<!tpu.dma_semaphore, #tpu.memory_space<semaphore_mem>>) src(%arg5 : memref<10240xf32, #tpu.memory_space<vmem>>) dst(%dma_wait3A_20 : memref<10240xf32, #tpu.memory_space<hbm>>)
      tpu.yield
    }) : () -> ()
    return
  }
}

#map = affine_map<(d0, d1) -> (0, 0)>
#map1 = affine_map<(d0, d1) -> (0, 0, 0)>
module attributes {stable_mosaic.version = 14 : i64} {
  func.func @k(%arg0: i32, %arg1: i32, %arg2: memref<10240x128xf32, #tpu.memory_space<hbm>>, %arg3: memref<32x10240xi32, #tpu.memory_space<hbm>>, %arg4: memref<32x80x128xi32, #tpu.memory_space<hbm>>, %arg5: memref<10240x128xf32, #tpu.memory_space<hbm>>, %arg6: memref<2x10240x128xf32, #tpu.memory_space<hbm>>, %arg7: memref<10240xi32, #tpu.memory_space<vmem>>, %arg8: memref<80x128xi32, #tpu.memory_space<vmem>>, %arg9: memref<128x128xf32, #tpu.memory_space<vmem>>, %arg10: memref<10240x128xf32, #tpu.memory_space<vmem_shared>>, %arg11: memref<!tpu.dma_semaphore, #tpu.memory_space<semaphore_mem>>) attributes {dimension_semantics = [#tpu.dimension_semantics<core_parallel>, #tpu.dimension_semantics<subcore_parallel>], iteration_bounds = array<i64: 2, 16>, scalar_prefetch = 0 : i64, scratch_operands = 5 : i64, tpu.core_type = #tpu.core_type<sc_vector_subcore>, window_params = [{transform_indices = #map}, {transform_indices = #map}, {transform_indices = #map1}, {transform_indices = #map}, {transform_indices = #map1}]} {
    %mul3A = arith.constant 2 : i32
    %mul3A_0 = arith.muli %arg1, %mul3A : i32
    %add3A = arith.addi %mul3A_0, %arg0 : i32
    %mul3A_1 = arith.constant 640 : i32
    %mul3A_2 = arith.muli %arg1, %mul3A_1 : i32
    %multiple_of3A = tpu.assume_multiple %mul3A_2, 8 : i32
    "tpu.region"() ({
      %run_scoped3A = tpu.sem_alloc : memref<!tpu.dma_semaphore, #tpu.memory_space<semaphore_mem>>
      %dma_start3A = arith.constant 0 : i32
      %dma_start3A_10 = tpu.memref_slice %arg10[%multiple_of3A, %dma_start3A] : memref<10240x128xf32, #tpu.memory_space<vmem_shared>> -> memref<640x128xf32, #tpu.memory_space<vmem_shared>>
      %dma_start3A_11 = arith.constant 0 : i32
      %dma_start3A_12 = tpu.memref_slice %arg5[%multiple_of3A, %dma_start3A_11] : memref<10240x128xf32, #tpu.memory_space<hbm>> -> memref<640x128xf32, #tpu.memory_space<hbm>>
      tpu.enqueue_dma source(%dma_start3A_12 : memref<640x128xf32, #tpu.memory_space<hbm>>) target(%dma_start3A_10 : memref<640x128xf32, #tpu.memory_space<vmem_shared>>) target_semaphore(%run_scoped3A : memref<!tpu.dma_semaphore, #tpu.memory_space<semaphore_mem>>)
      %dma_wait3A = arith.constant 0 : i32
      %dma_wait3A_13 = tpu.memref_slice %arg10[%multiple_of3A, %dma_wait3A] : memref<10240x128xf32, #tpu.memory_space<vmem_shared>> -> memref<640x128xf32, #tpu.memory_space<vmem_shared>>
      %dma_wait3A_14 = arith.constant 0 : i32
      %dma_wait3A_15 = tpu.memref_slice %arg5[%multiple_of3A, %dma_wait3A_14] : memref<10240x128xf32, #tpu.memory_space<hbm>> -> memref<640x128xf32, #tpu.memory_space<hbm>>
      tpu.wait_dma2 semaphore(%run_scoped3A : memref<!tpu.dma_semaphore, #tpu.memory_space<semaphore_mem>>) src(%dma_wait3A_15 : memref<640x128xf32, #tpu.memory_space<hbm>>) dst(%dma_wait3A_13 : memref<640x128xf32, #tpu.memory_space<vmem_shared>>)
      tpu.yield
    }) : () -> ()
    "tpu.region"() ({
      %run_scoped3A = tpu.sem_alloc : memref<!tpu.dma_semaphore, #tpu.memory_space<semaphore_mem>>
      %dma_start3A = arith.constant 0 : i32
      %dma_start3A_10 = tpu.memref_slice %arg3[%add3A, %dma_start3A] : memref<32x10240xi32, #tpu.memory_space<hbm>> -> memref<1x10240xi32, #tpu.memory_space<hbm>>
      %dma_start3A_11 = tpu.memref_squeeze %dma_start3A_10 : memref<1x10240xi32, #tpu.memory_space<hbm>> -> memref<10240xi32, #tpu.memory_space<hbm>>
      %dma_start3A_12 = arith.constant 0 : i32
      %dma_start3A_13 = tpu.memref_slice %arg3[%add3A, %dma_start3A_12] : memref<32x10240xi32, #tpu.memory_space<hbm>> -> memref<1x10240xi32, #tpu.memory_space<hbm>>
      %dma_start3A_14 = tpu.memref_squeeze %dma_start3A_13 : memref<1x10240xi32, #tpu.memory_space<hbm>> -> memref<10240xi32, #tpu.memory_space<hbm>>
      tpu.enqueue_dma source(%dma_start3A_14 : memref<10240xi32, #tpu.memory_space<hbm>>) target(%arg7 : memref<10240xi32, #tpu.memory_space<vmem>>) target_semaphore(%run_scoped3A : memref<!tpu.dma_semaphore, #tpu.memory_space<semaphore_mem>>)
      %dma_wait3A = arith.constant 0 : i32
      %dma_wait3A_15 = tpu.memref_slice %arg3[%add3A, %dma_wait3A] : memref<32x10240xi32, #tpu.memory_space<hbm>> -> memref<1x10240xi32, #tpu.memory_space<hbm>>
      %dma_wait3A_16 = tpu.memref_squeeze %dma_wait3A_15 : memref<1x10240xi32, #tpu.memory_space<hbm>> -> memref<10240xi32, #tpu.memory_space<hbm>>
      %dma_wait3A_17 = arith.constant 0 : i32
      %dma_wait3A_18 = tpu.memref_slice %arg3[%add3A, %dma_wait3A_17] : memref<32x10240xi32, #tpu.memory_space<hbm>> -> memref<1x10240xi32, #tpu.memory_space<hbm>>
      %dma_wait3A_19 = tpu.memref_squeeze %dma_wait3A_18 : memref<1x10240xi32, #tpu.memory_space<hbm>> -> memref<10240xi32, #tpu.memory_space<hbm>>
      tpu.wait_dma2 semaphore(%run_scoped3A : memref<!tpu.dma_semaphore, #tpu.memory_space<semaphore_mem>>) src(%dma_wait3A_19 : memref<10240xi32, #tpu.memory_space<hbm>>) dst(%arg7 : memref<10240xi32, #tpu.memory_space<vmem>>)
      tpu.yield
    }) : () -> ()
    "tpu.region"() ({
      %run_scoped3A = tpu.sem_alloc : memref<!tpu.dma_semaphore, #tpu.memory_space<semaphore_mem>>
      %dma_start3A = arith.constant 0 : i32
      %dma_start3A_10 = arith.constant 0 : i32
      %dma_start3A_11 = tpu.memref_slice %arg4[%add3A, %dma_start3A, %dma_start3A_10] : memref<32x80x128xi32, #tpu.memory_space<hbm>> -> memref<1x80x128xi32, #tpu.memory_space<hbm>>
      %dma_start3A_12 = tpu.memref_squeeze %dma_start3A_11 : memref<1x80x128xi32, #tpu.memory_space<hbm>> -> memref<80x128xi32, #tpu.memory_space<hbm>>
      %dma_start3A_13 = arith.constant 0 : i32
      %dma_start3A_14 = arith.constant 0 : i32
      %dma_start3A_15 = tpu.memref_slice %arg4[%add3A, %dma_start3A_13, %dma_start3A_14] : memref<32x80x128xi32, #tpu.memory_space<hbm>> -> memref<1x80x128xi32, #tpu.memory_space<hbm>>
      %dma_start3A_16 = tpu.memref_squeeze %dma_start3A_15 : memref<1x80x128xi32, #tpu.memory_space<hbm>> -> memref<80x128xi32, #tpu.memory_space<hbm>>
      tpu.enqueue_dma source(%dma_start3A_16 : memref<80x128xi32, #tpu.memory_space<hbm>>) target(%arg8 : memref<80x128xi32, #tpu.memory_space<vmem>>) target_semaphore(%run_scoped3A : memref<!tpu.dma_semaphore, #tpu.memory_space<semaphore_mem>>)
      %dma_wait3A = arith.constant 0 : i32
      %dma_wait3A_17 = arith.constant 0 : i32
      %dma_wait3A_18 = tpu.memref_slice %arg4[%add3A, %dma_wait3A, %dma_wait3A_17] : memref<32x80x128xi32, #tpu.memory_space<hbm>> -> memref<1x80x128xi32, #tpu.memory_space<hbm>>
      %dma_wait3A_19 = tpu.memref_squeeze %dma_wait3A_18 : memref<1x80x128xi32, #tpu.memory_space<hbm>> -> memref<80x128xi32, #tpu.memory_space<hbm>>
      %dma_wait3A_20 = arith.constant 0 : i32
      %dma_wait3A_21 = arith.constant 0 : i32
      %dma_wait3A_22 = tpu.memref_slice %arg4[%add3A, %dma_wait3A_20, %dma_wait3A_21] : memref<32x80x128xi32, #tpu.memory_space<hbm>> -> memref<1x80x128xi32, #tpu.memory_space<hbm>>
      %dma_wait3A_23 = tpu.memref_squeeze %dma_wait3A_22 : memref<1x80x128xi32, #tpu.memory_space<hbm>> -> memref<80x128xi32, #tpu.memory_space<hbm>>
      tpu.wait_dma2 semaphore(%run_scoped3A : memref<!tpu.dma_semaphore, #tpu.memory_space<semaphore_mem>>) src(%dma_wait3A_23 : memref<80x128xi32, #tpu.memory_space<hbm>>) dst(%arg8 : memref<80x128xi32, #tpu.memory_space<vmem>>)
      tpu.yield
    }) : () -> ()
    %barrier3A = arith.constant 0 : index
    tpu.barrier barrier_id(%barrier3A)
    %scan3A = arith.constant 0 : i32
    %scan3A_3 = arith.constant 0 : i32
    %scan3A_4 = arith.constant 80 : i32
    %scan3A_5 = arith.addi %scan3A_3, %scan3A_4 : i32
    %scan3A_6 = arith.constant 1 : i32
    %scan3A_7 = scf.for %scan3A_10 = %scan3A_3 to %scan3A_5 step %scan3A_6 iter_args(%scan3A_11 = %scan3A) -> (i32)  : i32 {
      %mul3A_12 = arith.constant 128 : i32
      %mul3A_13 = arith.muli %scan3A_10, %mul3A_12 : i32
      %multiple_of3A_14 = tpu.assume_multiple %mul3A_13, 128 : i32
      %dma_start3A = tpu.memref_slice %arg7[%multiple_of3A_14] : memref<10240xi32, #tpu.memory_space<vmem>> -> memref<128xi32, #tpu.memory_space<vmem>>
      %dma_start3A_15 = arith.constant 0 : i32
      %dma_start3A_16 = arith.constant 0 : i32
      %dma_start3A_17 = tpu.memref_slice %arg2[%dma_start3A_15, %dma_start3A_16] : memref<10240x128xf32, #tpu.memory_space<hbm>> -> memref<10240x128xf32, #tpu.memory_space<hbm>>
      tpu.enqueue_indirect_dma source(%dma_start3A_17 : memref<10240x128xf32, #tpu.memory_space<hbm>>) target(%arg9 : memref<128x128xf32, #tpu.memory_space<vmem>>) offsets(%dma_start3A : memref<128xi32, #tpu.memory_space<vmem>>) semaphore(%arg11 : memref<!tpu.dma_semaphore, #tpu.memory_space<semaphore_mem>>)
      %dma_wait3A = tpu.memref_slice %arg7[%multiple_of3A_14] : memref<10240xi32, #tpu.memory_space<vmem>> -> memref<128xi32, #tpu.memory_space<vmem>>
      %dma_wait3A_18 = arith.constant 0 : i32
      %dma_wait3A_19 = arith.constant 0 : i32
      %dma_wait3A_20 = tpu.memref_slice %arg2[%dma_wait3A_18, %dma_wait3A_19] : memref<10240x128xf32, #tpu.memory_space<hbm>> -> memref<10240x128xf32, #tpu.memory_space<hbm>>
      tpu.wait_indirect_dma semaphore(%arg11 : memref<!tpu.dma_semaphore, #tpu.memory_space<semaphore_mem>>) src(%dma_wait3A_20 : memref<10240x128xf32, #tpu.memory_space<hbm>>) dst(%arg9 : memref<128x128xf32, #tpu.memory_space<vmem>>)
      "tpu.region"() ({
        %run_scoped3A = tpu.sem_alloc : memref<!tpu.dma_semaphore, #tpu.memory_space<semaphore_mem>>
        %dma_start3A_22 = arith.constant 0 : i32
        %dma_start3A_23 = tpu.memref_slice %arg8[%scan3A_10, %dma_start3A_22] : memref<80x128xi32, #tpu.memory_space<vmem>> -> memref<1x128xi32, #tpu.memory_space<vmem>>
        %dma_start3A_24 = tpu.memref_squeeze %dma_start3A_23 : memref<1x128xi32, #tpu.memory_space<vmem>> -> memref<128xi32, #tpu.memory_space<vmem>>
        %dma_start3A_25 = arith.constant 0 : i32
        %dma_start3A_26 = arith.constant 0 : i32
        %dma_start3A_27 = tpu.memref_slice %arg10[%dma_start3A_25, %dma_start3A_26] : memref<10240x128xf32, #tpu.memory_space<vmem_shared>> -> memref<10240x128xf32, #tpu.memory_space<vmem_shared>>
        tpu.enqueue_indirect_dma source(%arg9 : memref<128x128xf32, #tpu.memory_space<vmem>>) target(%dma_start3A_27 : memref<10240x128xf32, #tpu.memory_space<vmem_shared>>) offsets(%dma_start3A_24 : memref<128xi32, #tpu.memory_space<vmem>>) semaphore(%run_scoped3A : memref<!tpu.dma_semaphore, #tpu.memory_space<semaphore_mem>>) {add = true}
        %dma_wait3A_28 = arith.constant 0 : i32
        %dma_wait3A_29 = tpu.memref_slice %arg8[%scan3A_10, %dma_wait3A_28] : memref<80x128xi32, #tpu.memory_space<vmem>> -> memref<1x128xi32, #tpu.memory_space<vmem>>
        %dma_wait3A_30 = tpu.memref_squeeze %dma_wait3A_29 : memref<1x128xi32, #tpu.memory_space<vmem>> -> memref<128xi32, #tpu.memory_space<vmem>>
        %dma_wait3A_31 = arith.constant 0 : i32
        %dma_wait3A_32 = arith.constant 0 : i32
        %dma_wait3A_33 = tpu.memref_slice %arg10[%dma_wait3A_31, %dma_wait3A_32] : memref<10240x128xf32, #tpu.memory_space<vmem_shared>> -> memref<10240x128xf32, #tpu.memory_space<vmem_shared>>
        tpu.wait_indirect_dma semaphore(%run_scoped3A : memref<!tpu.dma_semaphore, #tpu.memory_space<semaphore_mem>>) src(%arg9 : memref<128x128xf32, #tpu.memory_space<vmem>>) dst(%dma_wait3A_33 : memref<10240x128xf32, #tpu.memory_space<vmem_shared>>)
        tpu.yield
      }) : () -> ()
      %scan3A_21 = arith.constant 0 : i32
      scf.yield %scan3A_21 : i32
    }
    %scan3A_8 = arith.constant 80 : i32
    %barrier3A_9 = arith.constant 0 : index
    tpu.barrier barrier_id(%barrier3A_9)
    "tpu.region"() ({
      %run_scoped3A = tpu.sem_alloc : memref<!tpu.dma_semaphore, #tpu.memory_space<semaphore_mem>>
      %dma_start3A = arith.constant 0 : i32
      %dma_start3A_10 = tpu.memref_slice %arg6[%arg0, %multiple_of3A, %dma_start3A] : memref<2x10240x128xf32, #tpu.memory_space<hbm>> -> memref<1x640x128xf32, #tpu.memory_space<hbm>>
      %dma_start3A_11 = tpu.memref_squeeze %dma_start3A_10 : memref<1x640x128xf32, #tpu.memory_space<hbm>> -> memref<640x128xf32, #tpu.memory_space<hbm>>
      %dma_start3A_12 = arith.constant 0 : i32
      %dma_start3A_13 = tpu.memref_slice %arg10[%multiple_of3A, %dma_start3A_12] : memref<10240x128xf32, #tpu.memory_space<vmem_shared>> -> memref<640x128xf32, #tpu.memory_space<vmem_shared>>
      tpu.enqueue_dma source(%dma_start3A_13 : memref<640x128xf32, #tpu.memory_space<vmem_shared>>) target(%dma_start3A_11 : memref<640x128xf32, #tpu.memory_space<hbm>>) target_semaphore(%run_scoped3A : memref<!tpu.dma_semaphore, #tpu.memory_space<semaphore_mem>>)
      %dma_wait3A = arith.constant 0 : i32
      %dma_wait3A_14 = tpu.memref_slice %arg6[%arg0, %multiple_of3A, %dma_wait3A] : memref<2x10240x128xf32, #tpu.memory_space<hbm>> -> memref<1x640x128xf32, #tpu.memory_space<hbm>>
      %dma_wait3A_15 = tpu.memref_squeeze %dma_wait3A_14 : memref<1x640x128xf32, #tpu.memory_space<hbm>> -> memref<640x128xf32, #tpu.memory_space<hbm>>
      %dma_wait3A_16 = arith.constant 0 : i32
      %dma_wait3A_17 = tpu.memref_slice %arg10[%multiple_of3A, %dma_wait3A_16] : memref<10240x128xf32, #tpu.memory_space<vmem_shared>> -> memref<640x128xf32, #tpu.memory_space<vmem_shared>>
      tpu.wait_dma2 semaphore(%run_scoped3A : memref<!tpu.dma_semaphore, #tpu.memory_space<semaphore_mem>>) src(%dma_wait3A_17 : memref<640x128xf32, #tpu.memory_space<vmem_shared>>) dst(%dma_wait3A_15 : memref<640x128xf32, #tpu.memory_space<hbm>>)
      tpu.yield
    }) : () -> ()
    return
  }
}

module attributes {stable_mosaic.version = 14 : i64} {
  func.func @_tc_first_body(%arg0: i32, %arg1: memref<1024x128xf32, #tpu.memory_space<vmem>>, %arg2: memref<128x128xf32, #tpu.memory_space<vmem>>, %arg3: memref<1024x32xf32, #tpu.memory_space<vmem>>, %arg4: memref<1024x128xf32, #tpu.memory_space<vmem>>, %arg5: memref<1024x1xf32, #tpu.memory_space<vmem>>) attributes {dimension_semantics = [#tpu.dimension_semantics<arbitrary>], iteration_bounds = array<i64: 10>, scalar_prefetch = 0 : i64, scratch_operands = 0 : i64, tpu.core_type = #tpu.core_type<tc>, window_params = [{transform_indices = @transform_0, window_bounds = array<i64: 1024, 128>}, {pipeline_mode = #tpu.pipeline_mode<synchronous>, transform_indices = @transform_1, window_bounds = array<i64: 128, 128>}, {transform_indices = @transform_2, window_bounds = array<i64: 1024, 32>}, {transform_indices = @transform_3, window_bounds = array<i64: 1024, 128>}, {transform_indices = @transform_4, window_bounds = array<i64: 1024, 1>}]} {
    %get3A = arith.constant 0 : index
    %get3A_0 = arith.constant 0 : index
    %get3A_1 = vector.load %arg3[%get3A, %get3A_0] : memref<1024x32xf32, #tpu.memory_space<vmem>>, vector<1024x32xf32>
    %reduce_sum3A = arith.constant dense<0.000000e+00> : vector<1024xf32>
    %reduce_sum3A_2 = vector.multi_reduction <add>, %get3A_1, %reduce_sum3A [1] : vector<1024x32xf32> to vector<1024xf32>
    %broadcast_in_dim3A = vector.shape_cast %reduce_sum3A_2 : vector<1024xf32> to vector<1024x1xf32>
    %add3A = arith.constant 1.000000e+00 : f32
    %add3A_3 = vector.broadcast %add3A : f32 to vector<1024x1xf32>
    %add3A_4 = arith.addf %broadcast_in_dim3A, %add3A_3 : vector<1024x1xf32>
    %rsqrt3A = math.rsqrt %add3A_4 : vector<1024x1xf32>
    %get3A_5 = arith.constant 0 : index
    %get3A_6 = arith.constant 0 : index
    %get3A_7 = vector.load %arg1[%get3A_5, %get3A_6] : memref<1024x128xf32, #tpu.memory_space<vmem>>, vector<1024x128xf32>
    %get3A_8 = arith.constant 0 : index
    %get3A_9 = arith.constant 0 : index
    %get3A_10 = vector.load %arg2[%get3A_8, %get3A_9] : memref<128x128xf32, #tpu.memory_space<vmem>>, vector<128x128xf32>
    %dot_general3A = arith.constant dense<0.000000e+00> : vector<1024x128xf32>
    %dot_general3A_11 = tpu.matmul %get3A_7, %get3A_10, %dot_general3A {dimension_numbers = #tpu.dot_dimension_numbers<[1], [0], [0], [1], [0, 0, 1, 1], [], []>, transpose_lhs_hint = false} : vector<1024x128xf32>, vector<128x128xf32>, vector<1024x128xf32> -> vector<1024x128xf32>
    %mul3A = vector.broadcast %rsqrt3A : vector<1024x1xf32> to vector<1024x128xf32>
    %mul3A_12 = arith.mulf %dot_general3A_11, %mul3A : vector<1024x128xf32>
    %swap3A = arith.constant 0 : index
    %swap3A_13 = arith.constant 0 : index
    %swap3A_14 = vector.load %arg4[%swap3A, %swap3A_13] : memref<1024x128xf32, #tpu.memory_space<vmem>>, vector<1024x128xf32>
    tpu.vector_store %arg4[%swap3A, %swap3A_13], %mul3A_12 {strides = array<i32>} : memref<1024x128xf32, #tpu.memory_space<vmem>>, vector<1024x128xf32>,
    %swap3A_15 = arith.constant 0 : index
    %swap3A_16 = arith.constant 0 : index
    %swap3A_17 = vector.load %arg5[%swap3A_15, %swap3A_16] : memref<1024x1xf32, #tpu.memory_space<vmem>>, vector<1024x1xf32>
    tpu.vector_store %arg5[%swap3A_15, %swap3A_16], %rsqrt3A {strides = array<i32>} : memref<1024x1xf32, #tpu.memory_space<vmem>>, vector<1024x1xf32>,
    return
  }
  func.func @transform_0(%arg0: i32) -> (i32, i32) {
    %c0_i32 = arith.constant 0 : i32
    %c0_i32_0 = arith.constant 0 : i32
    return %arg0, %c0_i32 : i32, i32
  }
  func.func @transform_1(%arg0: i32) -> (i32, i32) {
    %c0_i32 = arith.constant 0 : i32
    %c0_i32_0 = arith.constant 0 : i32
    %c0_i32_1 = arith.constant 0 : i32
    return %c0_i32, %c0_i32_0 : i32, i32
  }
  func.func @transform_2(%arg0: i32) -> (i32, i32) {
    %c0_i32 = arith.constant 0 : i32
    %c0_i32_0 = arith.constant 0 : i32
    return %arg0, %c0_i32 : i32, i32
  }
  func.func @transform_3(%arg0: i32) -> (i32, i32) {
    %c0_i32 = arith.constant 0 : i32
    %c0_i32_0 = arith.constant 0 : i32
    return %arg0, %c0_i32 : i32, i32
  }
  func.func @transform_4(%arg0: i32) -> (i32, i32) {
    %c0_i32 = arith.constant 0 : i32
    %c0_i32_0 = arith.constant 0 : i32
    return %arg0, %c0_i32 : i32, i32
  }
}

module attributes {stable_mosaic.version = 14 : i64} {
  func.func @_tc_out_body(%arg0: i32, %arg1: memref<2x1000x128xf32, #tpu.memory_space<vmem>>, %arg2: memref<1000x128xf32, #tpu.memory_space<vmem>>, %arg3: memref<1000x1xf32, #tpu.memory_space<vmem>>, %arg4: memref<1x128xf32, #tpu.memory_space<vmem>>, %arg5: memref<1000x128xf32, #tpu.memory_space<vmem>>) attributes {dimension_semantics = [#tpu.dimension_semantics<arbitrary>], iteration_bounds = array<i64: 10>, scalar_prefetch = 0 : i64, scratch_operands = 0 : i64, tpu.core_type = #tpu.core_type<tc>, window_params = [{transform_indices = @transform_0, window_bounds = array<i64: 2, 1000, 128>}, {transform_indices = @transform_1, window_bounds = array<i64: 1000, 128>}, {transform_indices = @transform_2, window_bounds = array<i64: 1000, 1>}, {pipeline_mode = #tpu.pipeline_mode<synchronous>, transform_indices = @transform_3, window_bounds = array<i64: 1, 128>}, {transform_indices = @transform_4, window_bounds = array<i64: 1000, 128>}]} {
    %get3A = arith.constant 0 : index
    %get3A_0 = arith.constant 0 : index
    %get3A_1 = arith.constant 0 : index
    %get3A_2 = vector.load %arg1[%get3A, %get3A_0, %get3A_1] : memref<2x1000x128xf32, #tpu.memory_space<vmem>>, vector<1x1000x128xf32>
    %get3A_3 = vector.shape_cast %get3A_2 : vector<1x1000x128xf32> to vector<1000x128xf32>
    %get3A_4 = arith.constant 1 : index
    %get3A_5 = arith.constant 0 : index
    %get3A_6 = arith.constant 0 : index
    %get3A_7 = vector.load %arg1[%get3A_4, %get3A_5, %get3A_6] : memref<2x1000x128xf32, #tpu.memory_space<vmem>>, vector<1x1000x128xf32>
    %get3A_8 = vector.shape_cast %get3A_7 : vector<1x1000x128xf32> to vector<1000x128xf32>
    %add3A = arith.addf %get3A_3, %get3A_8 : vector<1000x128xf32>
    %get3A_9 = arith.constant 0 : index
    %get3A_10 = arith.constant 0 : index
    %get3A_11 = vector.load %arg2[%get3A_9, %get3A_10] : memref<1000x128xf32, #tpu.memory_space<vmem>>, vector<1000x128xf32>
    %add3A_12 = arith.addf %add3A, %get3A_11 : vector<1000x128xf32>
    %get3A_13 = arith.constant 0 : index
    %get3A_14 = arith.constant 0 : index
    %get3A_15 = vector.load %arg3[%get3A_13, %get3A_14] : memref<1000x1xf32, #tpu.memory_space<vmem>>, vector<1000x1xf32>
    %mul3A = vector.broadcast %get3A_15 : vector<1000x1xf32> to vector<1000x128xf32>
    %mul3A_16 = arith.mulf %add3A_12, %mul3A : vector<1000x128xf32>
    %get3A_17 = arith.constant 0 : index
    %get3A_18 = arith.constant 0 : index
    %get3A_19 = vector.load %arg4[%get3A_17, %get3A_18] : memref<1x128xf32, #tpu.memory_space<vmem>>, vector<1x128xf32>
    %add3A_20 = vector.broadcast %get3A_19 : vector<1x128xf32> to vector<1000x128xf32>
    %add3A_21 = arith.addf %mul3A_16, %add3A_20 : vector<1000x128xf32>
    %swap3A = arith.constant 0 : index
    %swap3A_22 = arith.constant 0 : index
    %swap3A_23 = vector.load %arg5[%swap3A, %swap3A_22] : memref<1000x128xf32, #tpu.memory_space<vmem>>, vector<1000x128xf32>
    tpu.vector_store %arg5[%swap3A, %swap3A_22], %add3A_21 {strides = array<i32>} : memref<1000x128xf32, #tpu.memory_space<vmem>>, vector<1000x128xf32>,
    return
  }
  func.func @transform_0(%arg0: i32) -> (i32, i32, i32) {
    %c0_i32 = arith.constant 0 : i32
    %c0_i32_0 = arith.constant 0 : i32
    %c0_i32_1 = arith.constant 0 : i32
    return %c0_i32, %arg0, %c0_i32_0 : i32, i32, i32
  }
  func.func @transform_1(%arg0: i32) -> (i32, i32) {
    %c0_i32 = arith.constant 0 : i32
    %c0_i32_0 = arith.constant 0 : i32
    return %arg0, %c0_i32 : i32, i32
  }
  func.func @transform_2(%arg0: i32) -> (i32, i32) {
    %c0_i32 = arith.constant 0 : i32
    %c0_i32_0 = arith.constant 0 : i32
    return %arg0, %c0_i32 : i32, i32
  }
  func.func @transform_3(%arg0: i32) -> (i32, i32) {
    %c0_i32 = arith.constant 0 : i32
    %c0_i32_0 = arith.constant 0 : i32
    %c0_i32_1 = arith.constant 0 : i32
    return %c0_i32, %c0_i32_0 : i32, i32
  }
  func.func @transform_4(%arg0: i32) -> (i32, i32) {
    %c0_i32 = arith.constant 0 : i32
    %c0_i32_0 = arith.constant 0 : i32
    return %arg0, %c0_i32 : i32, i32
  }
}

module attributes {stable_mosaic.version = 14 : i64} {
  func.func @_tc_mid_body(%arg0: i32, %arg1: memref<2x1024x128xf32, #tpu.memory_space<vmem>>, %arg2: memref<1024x128xf32, #tpu.memory_space<vmem>>, %arg3: memref<1024x1xf32, #tpu.memory_space<vmem>>, %arg4: memref<1x128xf32, #tpu.memory_space<vmem>>, %arg5: memref<128x128xf32, #tpu.memory_space<vmem>>, %arg6: memref<1024x128xf32, #tpu.memory_space<vmem>>) attributes {dimension_semantics = [#tpu.dimension_semantics<arbitrary>], iteration_bounds = array<i64: 10>, scalar_prefetch = 0 : i64, scratch_operands = 0 : i64, tpu.core_type = #tpu.core_type<tc>, window_params = [{transform_indices = @transform_0, window_bounds = array<i64: 2, 1024, 128>}, {transform_indices = @transform_1, window_bounds = array<i64: 1024, 128>}, {transform_indices = @transform_2, window_bounds = array<i64: 1024, 1>}, {pipeline_mode = #tpu.pipeline_mode<synchronous>, transform_indices = @transform_3, window_bounds = array<i64: 1, 128>}, {pipeline_mode = #tpu.pipeline_mode<synchronous>, transform_indices = @transform_4, window_bounds = array<i64: 128, 128>}, {transform_indices = @transform_5, window_bounds = array<i64: 1024, 128>}]} {
    %get3A = arith.constant 0 : index
    %get3A_0 = arith.constant 0 : index
    %get3A_1 = arith.constant 0 : index
    %get3A_2 = vector.load %arg1[%get3A, %get3A_0, %get3A_1] : memref<2x1024x128xf32, #tpu.memory_space<vmem>>, vector<1x1024x128xf32>
    %get3A_3 = vector.shape_cast %get3A_2 : vector<1x1024x128xf32> to vector<1024x128xf32>
    %get3A_4 = arith.constant 1 : index
    %get3A_5 = arith.constant 0 : index
    %get3A_6 = arith.constant 0 : index
    %get3A_7 = vector.load %arg1[%get3A_4, %get3A_5, %get3A_6] : memref<2x1024x128xf32, #tpu.memory_space<vmem>>, vector<1x1024x128xf32>
    %get3A_8 = vector.shape_cast %get3A_7 : vector<1x1024x128xf32> to vector<1024x128xf32>
    %add3A = arith.addf %get3A_3, %get3A_8 : vector<1024x128xf32>
    %get3A_9 = arith.constant 0 : index
    %get3A_10 = arith.constant 0 : index
    %get3A_11 = vector.load %arg2[%get3A_9, %get3A_10] : memref<1024x128xf32, #tpu.memory_space<vmem>>, vector<1024x128xf32>
    %add3A_12 = arith.addf %add3A, %get3A_11 : vector<1024x128xf32>
    %get3A_13 = arith.constant 0 : index
    %get3A_14 = arith.constant 0 : index
    %get3A_15 = vector.load %arg3[%get3A_13, %get3A_14] : memref<1024x1xf32, #tpu.memory_space<vmem>>, vector<1024x1xf32>
    %mul3A = vector.broadcast %get3A_15 : vector<1024x1xf32> to vector<1024x128xf32>
    %mul3A_16 = arith.mulf %add3A_12, %mul3A : vector<1024x128xf32>
    %get3A_17 = arith.constant 0 : index
    %get3A_18 = arith.constant 0 : index
    %get3A_19 = vector.load %arg4[%get3A_17, %get3A_18] : memref<1x128xf32, #tpu.memory_space<vmem>>, vector<1x128xf32>
    %add3A_20 = vector.broadcast %get3A_19 : vector<1x128xf32> to vector<1024x128xf32>
    %add3A_21 = arith.addf %mul3A_16, %add3A_20 : vector<1024x128xf32>
    %max3A = arith.constant 0.000000e+00 : f32
    %max3A_22 = vector.broadcast %max3A : f32 to vector<1024x128xf32>
    %max3A_23 = arith.maximumf %add3A_21, %max3A_22 : vector<1024x128xf32>
    %get3A_24 = arith.constant 0 : index
    %get3A_25 = arith.constant 0 : index
    %get3A_26 = vector.load %arg5[%get3A_24, %get3A_25] : memref<128x128xf32, #tpu.memory_space<vmem>>, vector<128x128xf32>
    %dot_general3A = arith.constant dense<0.000000e+00> : vector<1024x128xf32>
    %dot_general3A_27 = tpu.matmul %max3A_23, %get3A_26, %dot_general3A {dimension_numbers = #tpu.dot_dimension_numbers<[1], [0], [0], [1], [0, 0, 1, 1], [], []>, transpose_lhs_hint = false} : vector<1024x128xf32>, vector<128x128xf32>, vector<1024x128xf32> -> vector<1024x128xf32>
    %get3A_28 = arith.constant 0 : index
    %get3A_29 = arith.constant 0 : index
    %get3A_30 = vector.load %arg3[%get3A_28, %get3A_29] : memref<1024x1xf32, #tpu.memory_space<vmem>>, vector<1024x1xf32>
    %mul3A_31 = vector.broadcast %get3A_30 : vector<1024x1xf32> to vector<1024x128xf32>
    %mul3A_32 = arith.mulf %dot_general3A_27, %mul3A_31 : vector<1024x128xf32>
    %swap3A = arith.constant 0 : index
    %swap3A_33 = arith.constant 0 : index
    %swap3A_34 = vector.load %arg6[%swap3A, %swap3A_33] : memref<1024x128xf32, #tpu.memory_space<vmem>>, vector<1024x128xf32>
    tpu.vector_store %arg6[%swap3A, %swap3A_33], %mul3A_32 {strides = array<i32>} : memref<1024x128xf32, #tpu.memory_space<vmem>>, vector<1024x128xf32>,
    return
  }
  func.func @transform_0(%arg0: i32) -> (i32, i32, i32) {
    %c0_i32 = arith.constant 0 : i32
    %c0_i32_0 = arith.constant 0 : i32
    %c0_i32_1 = arith.constant 0 : i32
    return %c0_i32, %arg0, %c0_i32_0 : i32, i32, i32
  }
  func.func @transform_1(%arg0: i32) -> (i32, i32) {
    %c0_i32 = arith.constant 0 : i32
    %c0_i32_0 = arith.constant 0 : i32
    return %arg0, %c0_i32 : i32, i32
  }
  func.func @transform_2(%arg0: i32) -> (i32, i32) {
    %c0_i32 = arith.constant 0 : i32
    %c0_i32_0 = arith.constant 0 : i32
    return %arg0, %c0_i32 : i32, i32
  }
  func.func @transform_3(%arg0: i32) -> (i32, i32) {
    %c0_i32 = arith.constant 0 : i32
    %c0_i32_0 = arith.constant 0 : i32
    %c0_i32_1 = arith.constant 0 : i32
    return %c0_i32, %c0_i32_0 : i32, i32
  }
  func.func @transform_4(%arg0: i32) -> (i32, i32) {
    %c0_i32 = arith.constant 0 : i32
    %c0_i32_0 = arith.constant 0 : i32
    %c0_i32_1 = arith.constant 0 : i32
    return %c0_i32, %c0_i32_0 : i32, i32
  }
  func.func @transform_5(%arg0: i32) -> (i32, i32) {
    %c0_i32 = arith.constant 0 : i32
    %c0_i32_0 = arith.constant 0 : i32
    return %arg0, %c0_i32 : i32, i32
  }
}

</mosaic_0001>

<sc_bundles>
// kernel: kernel.11.cloned.1.call-start
scs
__scs_entry_jumppad:
0x0: {  	(pc) =	sbr.rel $0x88, $3  }
0x1: {  	(tag) =	ssettag $0x0;
	lr =	simm.s32 $0x1  }
0x2: {  	[smem:$0x3F9B] =	sst lr;
	_ =	strace $0xD0000000  }
0x3: {  	_ = 	snop  }
0x4: {  	_ = 	snop  }
0x5: {  	_ = 	snop  }
0x6: {  	_ = 	snop  }
0x7: {  	_ = 	snop  }
__scs_overlays_trampoline_lowered:
0x8: {  	[smem:$0x3FAA] =	sst s0  }
0x9: {  	[smem:$0x3FAB] =	sst s1  }
0xa: {  	[smem:$0x3FAC] =	sst s2  }
0xb: {  	[smem:$0x3FAD] =	sst s3  }
0xc: {  	[smem:$0x3FAE] =	sst s4  }
0xd: {  	[smem:$0x3FAF] =	sst s5  }
0xe: {  	[smem:$0x3FB0] =	sst s6  }
0xf: {  	[smem:$0x3FB1] =	sst s7  }
0x10: {  	[smem:$0x3FB2] =	sst s8  }
0x11: {  	[smem:$0x3FB3] =	sst s9;
	s0 =	simm.s32 @!p0 $0x0  }
0x12: {  	s1 =	sld [smem:$0x3F99];
	s0 =	simm.s32 @p0 $0x1  }
0x13: {  	[smem:$0x3FB4] =	sst s0;
	s0 =	simm.s32 @!p1 $0x0  }
0x14: {  	s2 =	sld [smem:$0x3F98];
	s0 =	simm.s32 @p1 $0x1  }
0x15: {  	[smem:$0x3FB5] =	sst s0;
	s0 =	simm.s32 @!p2 $0x0  }
0x16: {  	s3 =	sld [smem:$0x3FDB];
	s0 =	simm.s32 @p2 $0x1  }
0x17: {  	s4 =	simm.s32 $0x1BF5;
	[smem:$0x3FB7] =	sst s0  }
0x18: {  	s0 =	sld [smem:$0x3F9A];
	_ =	swait.ge [sflag:s4], $0x0  }
0x19: {  	s7 =	sld [smem:$0x3F9B]  }
0x1a: {  	s8 =	sadd.s32 $0xFFFFE003, lr  }
0x1b: {  	s9 =	sadd.s32 $0xFFFFFEF7, lr;
	s5 =	simm.s32 $0xFFFFFFFF;
	p2 =	slt.u32 s8, $0xFFFFF086  }
0x1c: {  	p1 =	slt.u32 s9, $0xF7A;
	s5 =	simm.s32 @!p2 $0x0  }
0x1d: {  	s5 =	simm.s32 @p1 $0x1;
	p0 =	seq.s32 s7, s2  }
0x1e: {  	s7 =	smul.u32 @!p0 $0xF7A, s2;
	p2 =	seq.s32 @!p0 s5, $0x0  }
0x1f: {  	s9 =	smul.u32 $0xF7A, s1;
	s8 =	simm.s32 @!p0 $0x1BF5;
	p2 =	por !p2, p0  }
0x20: {  	[sflag:s8] =	ssyncset.s32 @!p0 $0xFFFFF086;
	s6 =	sadd.s32 @!p0 s3, s7;
	s7 =	simm.s32 @!p0 $0x108  }
0x21: {  	s3 =	sadd.s32 s3, s9;
	s6 =	sadd.s32 @!p0 $0x88, s6;
	s7 =	simm.s32 @p2 $0x1082  }
0x22: {  	[simem:s7], [sflag:s8] =	dma.local @!p0 [hbm:s6], $0xF7A  }
0x23: {  	s9 =	sor.u32 $0xD0000000, s2;
	s6 =	simm.s32 $0x108;
	_ =	swait.ge @!p0 [sflag:s8], $0x0  }
0x24: {  	s3 =	sadd.s32 $0x88, s3;
	s6 =	simm.s32 @!p1 $0x1082;
	[sflag:s4] =	ssyncset.s32 $0xFFFFF086  }
0x25: {  	[simem:s6], [sflag:s4] =	dma.local [hbm:s3], $0xF7A  }
0x26: {  	[smem:$0x3F9B] =	sst s1;
	(tag) =	ssettag s2;
	_ =	strace s9  }
0x27: {  	s1 =	sld [smem:$0x3FAB]  }
0x28: {  	s2 =	sld [smem:$0x3FAC]  }
0x29: {  	s4 =	sld [smem:$0x3FAE]  }
0x2a: {  	p0 =	seq.s32 s5, $0x0;
	s5 =	sld [smem:$0x3FAF]  }
0x2b: {  	s6 =	sld [smem:$0x3FB0]  }
0x2c: {  	s7 =	sld [smem:$0x3FB1]  }
0x2d: {  	s3 =	simm.s32 $0x108;
	s8 =	sld [smem:$0x3FB2]  }
0x2e: {  	s3 =	simm.s32 @!p0 $0x1082;
	s9 =	sld [smem:$0x3FB3]  }
0x2f: {  	lr =	sadd.s32 s0, s3;
	s0 =	sld [smem:$0x3FAA]  }
0x30: {  	s3 =	sld [smem:$0x3FAD]  }
0x31: {  	[smem:$0x3FB6] =	sst s10  }
0x32: {  	s10 =	sld [smem:$0x3FB4];
	_ =	sdelay $0x3  }
0x33: {  	p0 =	seq.s32 s10, $0x1;
	s10 =	sld [smem:$0x3FB6];
	_ =	sdelay $0x3  }
0x34: {  	[smem:$0x3FB6] =	sst s10  }
0x35: {  	s10 =	sld [smem:$0x3FB5];
	_ =	sdelay $0x3  }
0x36: {  	p1 =	seq.s32 s10, $0x1;
	s10 =	sld [smem:$0x3FB6];
	_ =	sdelay $0x3  }
0x37: {  	[smem:$0x3FB6] =	sst s10  }
0x38: {  	s10 =	sld [smem:$0x3FB7]  }
0x39: {  	_ = 	snop;
	(pc) =	sbr.ind lr, $3  }
0x3a: {  	_ = 	snop  }
0x3b: {  	_ = 	snop  }
0x3c: {  	p2 =	seq.s32 s10, $0x1;
	s10 =	sld [smem:$0x3FB6]  }
0x3d: {  	_ =	shalt  }
0x3e: {  	_ =	shalt  }
0x3f: {  	_ =	shalt  }
0x40: {  	_ =	shalt  }
0x41: {  	_ =	shalt  }
0x42: {  	_ =	shalt  }
0x43: {  	_ =	shalt  }
0x44: {  	_ =	shalt  }
0x45: {  	_ =	shalt  }
0x46: {  	_ =	shalt  }
0x47: {  	_ =	shalt  }
0x48: {  	_ =	shalt  }
0x49: {  	_ =	shalt  }
0x4a: {  	_ =	shalt  }
0x4b: {  	_ =	shalt  }
0x4c: {  	_ =	shalt  }
0x4d: {  	_ =	shalt  }
0x4e: {  	_ =	shalt  }
0x4f: {  	_ =	shalt  }
0x50: {  	_ =	shalt  }
0x51: {  	_ =	shalt  }
0x52: {  	_ =	shalt  }
0x53: {  	_ =	shalt  }
0x54: {  	_ =	shalt  }
0x55: {  	_ =	shalt  }
0x56: {  	_ =	shalt  }
0x57: {  	_ =	shalt  }
0x58: {  	_ =	shalt  }
0x59: {  	_ =	shalt  }
0x5a: {  	_ =	shalt  }
0x5b: {  	_ =	shalt  }
0x5c: {  	_ =	shalt  }
0x5d: {  	_ =	shalt  }
0x5e: {  	_ =	shalt  }
0x5f: {  	_ =	shalt  }
0x60: {  	_ =	shalt  }
0x61: {  	_ =	shalt  }
0x62: {  	_ =	shalt  }
0x63: {  	_ =	shalt  }
0x64: {  	_ =	shalt  }
0x65: {  	_ =	shalt  }
0x66: {  	_ =	shalt  }
0x67: {  	_ =	shalt  }
0x68: {  	_ =	shalt  }
0x69: {  	_ =	shalt  }
0x6a: {  	_ =	shalt  }
0x6b: {  	_ =	shalt  }
0x6c: {  	_ =	shalt  }
0x6d: {  	_ =	shalt  }
0x6e: {  	_ =	shalt  }
0x6f: {  	_ =	shalt  }
0x70: {  	_ =	shalt  }
0x71: {  	_ =	shalt  }
0x72: {  	_ =	shalt  }
0x73: {  	_ =	shalt  }
0x74: {  	_ =	shalt  }
0x75: {  	_ =	shalt  }
0x76: {  	_ =	shalt  }
0x77: {  	_ =	shalt  }
0x78: {  	_ =	shalt  }
0x79: {  	_ =	shalt  }
0x7a: {  	_ =	shalt  }
0x7b: {  	_ =	shalt  }
0x7c: {  	_ =	shalt  }
0x7d: {  	_ =	shalt  }
0x7e: {  	_ =	shalt  }
0x7f: {  	_ =	shalt  }
0x80: {  	_ =	shalt  }
0x81: {  	_ =	shalt  }
0x82: {  	_ =	shalt  }
0x83: {  	_ =	shalt  }
0x84: {  	_ =	shalt  }
0x85: {  	_ =	shalt  }
0x86: {  	_ =	shalt  }
0x87: {  	_ =	shalt  }
.Lfunc_end0:
.L_simem_size_0:
called_computation.1_lowered:
.L_overlay_start_0:
0x88: {  	s2 =	sld [smem:$0x3FD9]  }
0x89: {  	s3 =	sld [smem:$0x3FFE];
	_ =	sdelay $0x1  }
0x8a: {  	s1 =	srdreg.scid  }
0x8b: {  	s0 =	sand.u32 $0x1, s1  }
0x8c: {  	s16 =	sshll.u32 s0, $0xA;
	s2 =	sadd.s32 s3, s2  }
0x8d: {  	s2 =	sadd.s32 s2, s16  }
0x8e: {  	[smem:$0x3FC2] =	sst s2  }
0x8f: {  	_ = 	snop  }
0x90: {  	(tm) =	ssettm $0x1  }
0x91: {  	s17 =	sld [smem:$0x3FFB];
	_ =	sdelay $0x3  }
0x92: {  	_ =	strace s17  }
0x93: {  	s2 =	sld [smem:$0x3FFC];
	_ =	sdelay $0x3  }
0x94: {  	_ =	strace s2  }
0x95: {  	s2 =	sld [smem:$0x3FFD];
	_ =	sdelay $0x3  }
0x96: {  	_ =	strace s2  }
0x97: {  	_ =	strace $0x8FFFFFFF  }
0x98: {  	s18 =	sld [smem:$0x3FDB];
	_ =	sdelay $0x1  }
0x99: {  	s19 =	simm.s32 $_scs_section_size  }
0x9a: {  	s4 =	simm.s32 $_size__tile_overlayer_lowered;
	s5 =	simm.s32 $_tile_overlayer_lowered  }
0x9b: {  	s22 =	simm.s32 $0x1BFF;
	s21 =	sshll.u32 s5, $0x1;
	s2 =	sadd.s32 s19, s18  }
0x9c: {  	s6 =	simm.s32 $0x0;
	s20 =	sshll.u32 s4, $0x1;
	s4 =	sadd.s32 s21, s2  }
0x9d: {  	[timem:s6], [sflag:s22] =	dma.local [hbm:s4], s20  }
0x9e: {  	_ =	swait.ge [sflag:s22], s20  }
0x9f: {  	s3 =	ssub.s32 $0x0, s20;
	[sflag:s22] =	ssyncset.done $0x0  }
0xa0: {  	[sflag:s22] =	ssyncadd.s32 s3;
	_ =	sdelay $0x1  }
0xa1: {  	s23 =	simm.s32 $0x1B8B  }
0xa2: {  	_ =	swait.ge [sflag:s23], $0x1  }
0xa3: {  	[sflag:s23] =	ssyncset.done $0x0  }
0xa4: {  	s25 =	simm.s32 $0x1B8E;
	s24 =	sld [smem:$0x3FFE];
	[sflag:s23] =	ssyncadd.s32 $0xFFFFFFFF  }
0xa5: {  	s26 =	simm.s32 $execute0_lowered;
	[smem:$0x3FD2] =	sst s25  }
0xa6: {  	s4 =	sshll.u32 s26, $0x1;
	_ =	strace $0x80000049;
	[dreg:$0x1] =	wrdreg $0xFFFFFFFF  }
0xa7: {  	s28 =	simm.s32 $_size_execute0_lowered;
	s2 =	sadd.s32 s2, s4;
	[dreg:$0x0] =	wrdreg $0x0  }
0xa8: {  	s4 =	sshll.u32 s28, $0x1;
	[dreg:$0x2] =	wrdreg s2  }
0xa9: {  	[dreg:$0x3] =	wrdreg s4  }
0xaa: {  	[dreg:$0x4] =	wrdreg $0xC0  }
0xab: {  	_ =	task [dreg:s6], $0x5FFFF  }
0xac: {  	[dreg:$0x1] =	wrdreg $0xFFFFFFFF  }
0xad: {  	[dreg:$0x0] =	wrdreg $0x60  }
0xae: {  	[dreg:$0x2] =	wrdreg s24  }
0xaf: {  	[dreg:$0x3] =	wrdreg $0x90000  }
0xb0: {  	[dreg:$0x4] =	wrdreg $0x9  }
0xb1: {  	_ =	task.clear_ibuf [dreg:s6], $0x5FFFF;
	_ =	strace $0x90000049  }
0xb2: {  	s29 =	simm.s32 $0x9;
	_ =	strace $0x8000004B  }
0xb3: {  	_ =	swait.ge [sflag:s29], $0x1  }
0xb4: {  	[sflag:s29] =	ssyncadd.s32 $0xFFFFFFFF  }
0xb5: {  	_ =	strace $0x9000004B  }
0xb6: {  	_ =	sfence  }
0xb7: {  	s30 =	sld [smem:$0x0];
	_ =	sdelay $0x2  }
0xb8: {  	s31 =	sshll.u32 s1, $0xD;
	s1 =	sshrl.u32 s1, $0x2  }
0xb9: {  	s3 =	sand.u32 $0x4000, s31;
	s1 =	sadd.s32 s1, s30  }
0xba: {  	s0 =	sor.u32 s3, s0;
	s1 =	sshll.u32 s1, $0x11  }
0xbb: {  	s0 =	sor.u32 s1, s0  }
0xbc: {  	s0 =	sadd.s32 $0x8F2B, s0  }
0xbd: {  	[sflag:s0] =	ssyncadd.remote.s32 $0x1  }
0xbe: {  	_ =	sfence.sel $0xFFFF  }
0xbf: {  	[dreg:$0x0] =	wrdreg $0xFFFFFFFF;
	(pc) =	sbr.abs _section_cstart, $3  }
0xc0: {  	[dreg:$0x1] =	wrdreg $0xFFFFFFFF  }
0xc1: {  	_ =	task.clear_ibuf [dreg:s6], $0x2FFFF;
	_ =	strace $0x9FFFFFFF  }
0xc2: {  	(tm) =	ssettm $0x7FFFFFFF  }
0xc3: {  	_ =	shalt  }
tec
execute0_lowered:
.L_overlay_start_1:
0x0: {  	(tag) =	ssettag $0x1  }
0x1: {  	s1 =	srdreg.scid;
	s6 =	rddreg [dreg:$0x0]  }
0x2: {  	s0 =	stileid.u32;
	s2 =	rddreg [dreg:$0x1]  }
0x3: {  	s15 =	simm.s32 $0x2800;
	s16 =	simm.s32 $0x5000;
	s17 =	simm.s32 $0x1  }
0x4: {  	s18 =	simm.s32 $0x0;
	s5 =	sand.u32 $0x1, s1;
	s26 =	smul.u32 $0x14000, s0  }
0x5: {  	s24 =	sshll.u32 s0, $0x1;
	s25 =	sshrl.u32 s0, $0x2;
	s28 =	smul.u32 $0x50000, s0  }
0x6: {  	s1 =	rddreg [dreg:$0x2];
	s31 =	sshll.u32 s0, $0x6;
	s4 =	smul.u32 $0x14000, s25  }
0x7: {  	s3 =	sor.u32 s5, s24;
	s10 =	smul.u32 $0x140000, s5;
	s5 =	ssub.s32 $0x2, s5  }
0x8: {  	s7 =	sshll.u32 s3, $0x7;
	s8 =	smul.u32 $0x500, s3;
	s3 =	simm.s32 $0x0  }
0x9: {  	s11 =	sshrl.u32 s26, $0x3;
	s29 =	sshrl.u32 s5, $0x1;
	s30 =	sshrl.u32 s28, $0x2  }
0xa: {  	s7 =	sand.u32 $0x380, s7;
	[smem:$0x7FF] =	sst s3;
	s11 =	sadd.s32 s11, s6  }
0xb: {  	s13 =	ssub.s32 s5, s29;
	s14 =	sadd.s32 s30, s2;
	s4 =	sor.u32 s4, s7  }
0xc: {  	_ =	strace $0x8000004A;
	s8 =	sadd.s32 s8, s6;
	s7 =	sadd.s32 s26, s10  }
0xd: {  	s5 =	sadd.s32 $0x48400, s11;
	s10 =	smax.u32 s13, $0x1;
	s11 =	sshrl.u32 s14, $0x3  }
0xe: {  	s13 =	simm.s32 $0x80;
	s14 =	simm.s32 $0x400;
	s9 =	sshrl.u32 s4, $0x3  }
0xf: {  	s4 =	sadd.s32 $0x20400, s6;
	s7 =	sshrl.u32 s7, $0x3;
	s8 =	sadd.s32 $0x2400, s8  }
0x10: {  	s9 =	sadd.s32 s9, s6;
	s12 =	sadd.s32 s7, s6;
	s6 =	sor.u32 $0x1C02, s31  }
0x11: {  	s7 =	sadd.s32 $0x16400, s9;
	s9 =	sadd.s32 $0x70400, s12;
	s12 =	simm.s32 $0x2  }
.LBB2_1:
0x12: {  	[spmem:s11], [sflag:s6] =	dma.local [hbm:s5], $0x2800  }
0x13: {  	_ =	swait.ge [sflag:s12], $0x2800  }
0x14: {  	[sflag:s12] =	ssyncset.done $0x0  }
0x15: {  	[sflag:s12] =	ssyncadd.s32 $0xFFFFD800  }
0x16: {  	[tilespmem:s3], [sflag:$0x2] =	stream.strided.gather [hbm4b:s7+s13], $0x2800, s14, s13, $0x38;
	[tilespmem:$0x1D000] =	vst v63  }
0x17: {  	_ =	swait.ge [sflag:s12], $0x2800  }
0x18: {  	[sflag:s12] =	ssyncset.done $0x0  }
0x19: {  	[sflag:s12] =	ssyncadd.s32 $0xFFFFD800  }
0x1a: {  	[tilespmem:s15], [sflag:$0x2] =	stream.linear.gather [hbm4b:s8+s3], $0x2800, $0x38;
	[tilespmem:$0x1D000] =	vst v63  }
0x1b: {  	_ =	swait.ge [sflag:s12], $0x2800  }
0x1c: {  	[sflag:s12] =	ssyncset.done $0x0  }
0x1d: {  	[sflag:s12] =	ssyncadd.s32 $0xFFFFD800  }
0x1e: {  	s19 =	simm.s32 $0x0;
	[bflag:$0x0] =	sbarrier.arrive $0xFFFF  }
0x1f: {  	[tilespmem:s16], [sflag:$0x1] =	stream.indirect.gather [hbm4b:s4+s13], $0x80, s19, s13, $0xb8;
	[tilespmem:$0x1D000] =	vst v63  }
0x20: {  	_ =	swait.ge [sflag:s17], $0x4000  }
0x21: {  	[sflag:s17] =	ssyncset.done $0x0  }
0x22: {  	s31 =	simm.s32 $0x2800;
	[sflag:s17] =	ssyncadd.s32 $0xFFFFC000  }
0x23: {  	[spmem:s2] =	stream.indirect.scatter.add.f32 [tilespmem:s16], [sflag:$0x2], $0x80, s31, s13, $0xb8;
	[tilespmem:$0x1D000] =	vst v63  }
0x24: {  	_ =	swait.ge [sflag:s12], $0x4000  }
0x25: {  	s20 =	simm.s32 $0x400;
	s19 =	simm.s32 $0x200;
	[sflag:s12] =	ssyncset.done $0x0  }
.LBB2_2:
0x26: {  	s21 =	sshra.s32 s19, $0x2  }
0x27: {  	[sflag:s12] =	ssyncadd.s32 $0xFFFFC000;
	s19 =	smov.u32 s20;
	s22 =	sadd.s32 $0x200, s20  }
0x28: {  	[tilespmem:s16], [sflag:$0x1] =	stream.indirect.gather [hbm4b:s4+s13], $0x80, s21, s13, $0xb8;
	[tilespmem:$0x1D000] =	vst v63  }
0x29: {  	p0 =	sne.s32 s20, $0x9E00;
	_ =	swait.ge [sflag:s17], $0x4000  }
.Ltmp0:
0x2a: {  	[sflag:s17] =	ssyncset.done $0x0;
	(pc) =	sbr.rel @p0 .LBB2_2-.Ltmp0, $4  }
0x2b: {  	s20 =	sadd.s32 $0x2800, s21;
	[sflag:s17] =	ssyncadd.s32 $0xFFFFC000  }
0x2c: {  	[spmem:s2] =	stream.indirect.scatter.add.f32 [tilespmem:s16], [sflag:$0x2], $0x80, s20, s13, $0xb8;
	[tilespmem:$0x1D000] =	vst v63  }
0x2d: {  	_ =	swait.ge [sflag:s12], $0x4000  }
0x2e: {  	s20 =	smov.u32 s22;
	[sflag:s12] =	ssyncset.done $0x0  }
0x2f: {  	s19 =	sshra.s32 s19, $0x2;
	[sflag:s12] =	ssyncadd.s32 $0xFFFFC000  }
0x30: {  	[tilespmem:s16], [sflag:$0x1] =	stream.indirect.gather [hbm4b:s4+s13], $0x80, s19, s13, $0xb8;
	[tilespmem:$0x1D000] =	vst v63  }
0x31: {  	_ =	swait.ge [sflag:s17], $0x4000  }
0x32: {  	[sflag:s17] =	ssyncset.done $0x0  }
0x33: {  	s19 =	sadd.s32 $0x2800, s19;
	[sflag:s17] =	ssyncadd.s32 $0xFFFFC000  }
0x34: {  	[spmem:s2] =	stream.indirect.scatter.add.f32 [tilespmem:s16], [sflag:$0x2], $0x80, s19, s13, $0xb8;
	[tilespmem:$0x1D000] =	vst v63  }
0x35: {  	_ =	swait.ge [sflag:s12], $0x4000  }
0x36: {  	s18 =	sadd.s32 $0x1, s18;
	[sflag:s12] =	ssyncset.done $0x0  }
0x37: {  	p0 =	sne.s32 s18, s10;
	[sflag:s12] =	ssyncadd.s32 $0xFFFFC000  }
.Ltmp1:
0x38: {  	[bflag:$0x0] =	sbarrier.arrive $0xFFFF;
	(pc) =	sbr.rel @p0 .LBB2_1-.Ltmp1, $4  }
0x39: {  	[hbm:s9], [sflag:s6] =	dma.local [spmem:s11], $0x2800  }
0x3a: {  	_ =	swait.ge [sflag:s12], $0x2800  }
0x3b: {  	[sflag:s12] =	ssyncset.done $0x0  }
0x3c: {  	[sflag:s12] =	ssyncadd.s32 $0xFFFFD800  }
0x3d: {  	_ =	sfence.sel $0x180000  }
0x3e: {  	[bflag:$0x0] =	sbarrier.arrive $0xFFFF  }
0x3f: {  	p0 =	sne.s32 s0, $0x0;
	_ =	strace $0x9000004A  }
0x40: {  	s0 =	sadd.s32 @!p0 $0x100000, s1;
	[bflag:$0x2] =	sbarrier.arrive $0xFFFF  }
0x41: {  	[sflag:s0] =	ssyncadd.tile.s32 @!p0 $0x1;
	_ =	shalt  }
.Lfunc_end2:
_tile_overlayer_lowered:
.L_overlay_start_2:
0x42: {  	(tag) =	ssettag $0x2  }
0x43: {  	s0 =	rddreg [dreg:$0x0];
	s2 =	stileid.u32  }
0x44: {  	s1 =	rddreg [dreg:$0x1];
	p0 =	sne.s32 s2, $0x0  }
0x45: {  	s3 =	rddreg [dreg:$0x2];
	[bflag:$0x3] =	sbarrier.arrive $0xFFFF;
	s2 =	simm.s32 @!p0 $0x1C02  }
0x46: {  	[timem:s3], [sflag:s2] =	dma.local @!p0 [hbm:s0], s1  }
0x47: {  	s0 =	simm.s32 @!p0 $0x2  }
0x48: {  	_ =	swait.ge @!p0 [sflag:s0], s1  }
0x49: {  	s1 =	ssub.s32 @!p0 $0x0, s1;
	[sflag:s0] =	ssyncset.done @!p0 $0x0  }
0x4a: {  	[sflag:s0] =	ssyncadd.s32 @!p0 s1  }
0x4b: {  	[bflag:$0x3] =	sbarrier.arrive $0xFFFF  }
0x4c: {  	_ =	shalt  }

// kernel: kernel.14.cloned.1.call-start
scs
__scs_entry_jumppad:
0x0: {  	(pc) =	sbr.rel $0x88, $3  }
0x1: {  	(tag) =	ssettag $0x0;
	lr =	simm.s32 $0x1  }
0x2: {  	[smem:$0x3F9B] =	sst lr;
	_ =	strace $0xD0000000  }
0x3: {  	_ = 	snop  }
0x4: {  	_ = 	snop  }
0x5: {  	_ = 	snop  }
0x6: {  	_ = 	snop  }
0x7: {  	_ = 	snop  }
__scs_overlays_trampoline_lowered:
0x8: {  	[smem:$0x3FAA] =	sst s0  }
0x9: {  	[smem:$0x3FAB] =	sst s1  }
0xa: {  	[smem:$0x3FAC] =	sst s2  }
0xb: {  	[smem:$0x3FAD] =	sst s3  }
0xc: {  	[smem:$0x3FAE] =	sst s4  }
0xd: {  	[smem:$0x3FAF] =	sst s5  }
0xe: {  	[smem:$0x3FB0] =	sst s6  }
0xf: {  	[smem:$0x3FB1] =	sst s7  }
0x10: {  	[smem:$0x3FB2] =	sst s8  }
0x11: {  	[smem:$0x3FB3] =	sst s9;
	s0 =	simm.s32 @!p0 $0x0  }
0x12: {  	s1 =	sld [smem:$0x3F99];
	s0 =	simm.s32 @p0 $0x1  }
0x13: {  	[smem:$0x3FB4] =	sst s0;
	s0 =	simm.s32 @!p1 $0x0  }
0x14: {  	s2 =	sld [smem:$0x3F98];
	s0 =	simm.s32 @p1 $0x1  }
0x15: {  	[smem:$0x3FB5] =	sst s0;
	s0 =	simm.s32 @!p2 $0x0  }
0x16: {  	s3 =	sld [smem:$0x3FDB];
	s0 =	simm.s32 @p2 $0x1  }
0x17: {  	s4 =	simm.s32 $0x1BF5;
	[smem:$0x3FB7] =	sst s0  }
0x18: {  	s0 =	sld [smem:$0x3F9A];
	_ =	swait.ge [sflag:s4], $0x0  }
0x19: {  	s7 =	sld [smem:$0x3F9B]  }
0x1a: {  	s8 =	sadd.s32 $0xFFFFE003, lr  }
0x1b: {  	s9 =	sadd.s32 $0xFFFFFEF7, lr;
	s5 =	simm.s32 $0xFFFFFFFF;
	p2 =	slt.u32 s8, $0xFFFFF086  }
0x1c: {  	p1 =	slt.u32 s9, $0xF7A;
	s5 =	simm.s32 @!p2 $0x0  }
0x1d: {  	s5 =	simm.s32 @p1 $0x1;
	p0 =	seq.s32 s7, s2  }
0x1e: {  	s7 =	smul.u32 @!p0 $0xF7A, s2;
	p2 =	seq.s32 @!p0 s5, $0x0  }
0x1f: {  	s9 =	smul.u32 $0xF7A, s1;
	s8 =	simm.s32 @!p0 $0x1BF5;
	p2 =	por !p2, p0  }
0x20: {  	[sflag:s8] =	ssyncset.s32 @!p0 $0xFFFFF086;
	s6 =	sadd.s32 @!p0 s3, s7;
	s7 =	simm.s32 @!p0 $0x108  }
0x21: {  	s3 =	sadd.s32 s3, s9;
	s6 =	sadd.s32 @!p0 $0x88, s6;
	s7 =	simm.s32 @p2 $0x1082  }
0x22: {  	[simem:s7], [sflag:s8] =	dma.local @!p0 [hbm:s6], $0xF7A  }
0x23: {  	s9 =	sor.u32 $0xD0000000, s2;
	s6 =	simm.s32 $0x108;
	_ =	swait.ge @!p0 [sflag:s8], $0x0  }
0x24: {  	s3 =	sadd.s32 $0x88, s3;
	s6 =	simm.s32 @!p1 $0x1082;
	[sflag:s4] =	ssyncset.s32 $0xFFFFF086  }
0x25: {  	[simem:s6], [sflag:s4] =	dma.local [hbm:s3], $0xF7A  }
0x26: {  	[smem:$0x3F9B] =	sst s1;
	(tag) =	ssettag s2;
	_ =	strace s9  }
0x27: {  	s1 =	sld [smem:$0x3FAB]  }
0x28: {  	s2 =	sld [smem:$0x3FAC]  }
0x29: {  	s4 =	sld [smem:$0x3FAE]  }
0x2a: {  	p0 =	seq.s32 s5, $0x0;
	s5 =	sld [smem:$0x3FAF]  }
0x2b: {  	s6 =	sld [smem:$0x3FB0]  }
0x2c: {  	s7 =	sld [smem:$0x3FB1]  }
0x2d: {  	s3 =	simm.s32 $0x108;
	s8 =	sld [smem:$0x3FB2]  }
0x2e: {  	s3 =	simm.s32 @!p0 $0x1082;
	s9 =	sld [smem:$0x3FB3]  }
0x2f: {  	lr =	sadd.s32 s0, s3;
	s0 =	sld [smem:$0x3FAA]  }
0x30: {  	s3 =	sld [smem:$0x3FAD]  }
0x31: {  	[smem:$0x3FB6] =	sst s10  }
0x32: {  	s10 =	sld [smem:$0x3FB4];
	_ =	sdelay $0x3  }
0x33: {  	p0 =	seq.s32 s10, $0x1;
	s10 =	sld [smem:$0x3FB6];
	_ =	sdelay $0x3  }
0x34: {  	[smem:$0x3FB6] =	sst s10  }
0x35: {  	s10 =	sld [smem:$0x3FB5];
	_ =	sdelay $0x3  }
0x36: {  	p1 =	seq.s32 s10, $0x1;
	s10 =	sld [smem:$0x3FB6];
	_ =	sdelay $0x3  }
0x37: {  	[smem:$0x3FB6] =	sst s10  }
0x38: {  	s10 =	sld [smem:$0x3FB7]  }
0x39: {  	_ = 	snop;
	(pc) =	sbr.ind lr, $3  }
0x3a: {  	_ = 	snop  }
0x3b: {  	_ = 	snop  }
0x3c: {  	p2 =	seq.s32 s10, $0x1;
	s10 =	sld [smem:$0x3FB6]  }
0x3d: {  	_ =	shalt  }
0x3e: {  	_ =	shalt  }
0x3f: {  	_ =	shalt  }
0x40: {  	_ =	shalt  }
0x41: {  	_ =	shalt  }
0x42: {  	_ =	shalt  }
0x43: {  	_ =	shalt  }
0x44: {  	_ =	shalt  }
0x45: {  	_ =	shalt  }
0x46: {  	_ =	shalt  }
0x47: {  	_ =	shalt  }
0x48: {  	_ =	shalt  }
0x49: {  	_ =	shalt  }
0x4a: {  	_ =	shalt  }
0x4b: {  	_ =	shalt  }
0x4c: {  	_ =	shalt  }
0x4d: {  	_ =	shalt  }
0x4e: {  	_ =	shalt  }
0x4f: {  	_ =	shalt  }
0x50: {  	_ =	shalt  }
0x51: {  	_ =	shalt  }
0x52: {  	_ =	shalt  }
0x53: {  	_ =	shalt  }
0x54: {  	_ =	shalt  }
0x55: {  	_ =	shalt  }
0x56: {  	_ =	shalt  }
0x57: {  	_ =	shalt  }
0x58: {  	_ =	shalt  }
0x59: {  	_ =	shalt  }
0x5a: {  	_ =	shalt  }
0x5b: {  	_ =	shalt  }
0x5c: {  	_ =	shalt  }
0x5d: {  	_ =	shalt  }
0x5e: {  	_ =	shalt  }
0x5f: {  	_ =	shalt  }
0x60: {  	_ =	shalt  }
0x61: {  	_ =	shalt  }
0x62: {  	_ =	shalt  }
0x63: {  	_ =	shalt  }
0x64: {  	_ =	shalt  }
0x65: {  	_ =	shalt  }
0x66: {  	_ =	shalt  }
0x67: {  	_ =	shalt  }
0x68: {  	_ =	shalt  }
0x69: {  	_ =	shalt  }
0x6a: {  	_ =	shalt  }
0x6b: {  	_ =	shalt  }
0x6c: {  	_ =	shalt  }
0x6d: {  	_ =	shalt  }
0x6e: {  	_ =	shalt  }
0x6f: {  	_ =	shalt  }
0x70: {  	_ =	shalt  }
0x71: {  	_ =	shalt  }
0x72: {  	_ =	shalt  }
0x73: {  	_ =	shalt  }
0x74: {  	_ =	shalt  }
0x75: {  	_ =	shalt  }
0x76: {  	_ =	shalt  }
0x77: {  	_ =	shalt  }
0x78: {  	_ =	shalt  }
0x79: {  	_ =	shalt  }
0x7a: {  	_ =	shalt  }
0x7b: {  	_ =	shalt  }
0x7c: {  	_ =	shalt  }
0x7d: {  	_ =	shalt  }
0x7e: {  	_ =	shalt  }
0x7f: {  	_ =	shalt  }
0x80: {  	_ =	shalt  }
0x81: {  	_ =	shalt  }
0x82: {  	_ =	shalt  }
0x83: {  	_ =	shalt  }
0x84: {  	_ =	shalt  }
0x85: {  	_ =	shalt  }
0x86: {  	_ =	shalt  }
0x87: {  	_ =	shalt  }
.Lfunc_end0:
.L_simem_size_0:
called_computation.2_lowered:
.L_overlay_start_0:
0x88: {  	s2 =	sld [smem:$0x3FD9]  }
0x89: {  	s3 =	sld [smem:$0x3FFE];
	_ =	sdelay $0x1  }
0x8a: {  	s1 =	srdreg.scid  }
0x8b: {  	s0 =	sand.u32 $0x1, s1  }
0x8c: {  	s16 =	sshll.u32 s0, $0xA;
	s2 =	sadd.s32 s3, s2  }
0x8d: {  	s2 =	sadd.s32 s2, s16  }
0x8e: {  	[smem:$0x3FC2] =	sst s2  }
0x8f: {  	_ = 	snop  }
0x90: {  	(tm) =	ssettm $0x1  }
0x91: {  	s17 =	sld [smem:$0x3FFB];
	_ =	sdelay $0x3  }
0x92: {  	_ =	strace s17  }
0x93: {  	s2 =	sld [smem:$0x3FFC];
	_ =	sdelay $0x3  }
0x94: {  	_ =	strace s2  }
0x95: {  	s2 =	sld [smem:$0x3FFD];
	_ =	sdelay $0x3  }
0x96: {  	_ =	strace s2  }
0x97: {  	_ =	strace $0x8FFFFFFF  }
0x98: {  	s18 =	sld [smem:$0x3FDB];
	_ =	sdelay $0x1  }
0x99: {  	s19 =	simm.s32 $_scs_section_size  }
0x9a: {  	s4 =	simm.s32 $_size__tile_overlayer_lowered;
	s5 =	simm.s32 $_tile_overlayer_lowered  }
0x9b: {  	s22 =	simm.s32 $0x1BFF;
	s21 =	sshll.u32 s5, $0x1;
	s2 =	sadd.s32 s19, s18  }
0x9c: {  	s6 =	simm.s32 $0x0;
	s20 =	sshll.u32 s4, $0x1;
	s4 =	sadd.s32 s21, s2  }
0x9d: {  	[timem:s6], [sflag:s22] =	dma.local [hbm:s4], s20  }
0x9e: {  	_ =	swait.ge [sflag:s22], s20  }
0x9f: {  	s3 =	ssub.s32 $0x0, s20;
	[sflag:s22] =	ssyncset.done $0x0  }
0xa0: {  	[sflag:s22] =	ssyncadd.s32 s3;
	_ =	sdelay $0x1  }
0xa1: {  	s23 =	simm.s32 $0x1B8B  }
0xa2: {  	_ =	swait.ge [sflag:s23], $0x1  }
0xa3: {  	[sflag:s23] =	ssyncset.done $0x0  }
0xa4: {  	s25 =	simm.s32 $0x1B8E;
	s24 =	sld [smem:$0x3FFE];
	[sflag:s23] =	ssyncadd.s32 $0xFFFFFFFF  }
0xa5: {  	s26 =	simm.s32 $execute0_lowered;
	[smem:$0x3FD2] =	sst s25  }
0xa6: {  	s4 =	sshll.u32 s26, $0x1;
	_ =	strace $0x8000004C;
	[dreg:$0x1] =	wrdreg $0xFFFFFFFF  }
0xa7: {  	s28 =	simm.s32 $_size_execute0_lowered;
	s2 =	sadd.s32 s2, s4;
	[dreg:$0x0] =	wrdreg $0x0  }
0xa8: {  	s4 =	sshll.u32 s28, $0x1;
	[dreg:$0x2] =	wrdreg s2  }
0xa9: {  	[dreg:$0x3] =	wrdreg s4  }
0xaa: {  	[dreg:$0x4] =	wrdreg $0xC0  }
0xab: {  	_ =	task [dreg:s6], $0x5FFFF  }
0xac: {  	[dreg:$0x1] =	wrdreg $0xFFFFFFFF  }
0xad: {  	[dreg:$0x0] =	wrdreg $0x60  }
0xae: {  	[dreg:$0x2] =	wrdreg s24  }
0xaf: {  	[dreg:$0x3] =	wrdreg $0x90000  }
0xb0: {  	[dreg:$0x4] =	wrdreg $0x9  }
0xb1: {  	_ =	task.clear_ibuf [dreg:s6], $0x5FFFF;
	_ =	strace $0x9000004C  }
0xb2: {  	s29 =	simm.s32 $0x9;
	_ =	strace $0x8000004E  }
0xb3: {  	_ =	swait.ge [sflag:s29], $0x1  }
0xb4: {  	[sflag:s29] =	ssyncadd.s32 $0xFFFFFFFF  }
0xb5: {  	_ =	strace $0x9000004E  }
0xb6: {  	_ =	sfence  }
0xb7: {  	s30 =	sld [smem:$0x0];
	_ =	sdelay $0x2  }
0xb8: {  	s31 =	sshll.u32 s1, $0xD;
	s1 =	sshrl.u32 s1, $0x2  }
0xb9: {  	s3 =	sand.u32 $0x4000, s31;
	s1 =	sadd.s32 s1, s30  }
0xba: {  	s0 =	sor.u32 s3, s0;
	s1 =	sshll.u32 s1, $0x11  }
0xbb: {  	s0 =	sor.u32 s1, s0  }
0xbc: {  	s0 =	sadd.s32 $0x8F2B, s0  }
0xbd: {  	[sflag:s0] =	ssyncadd.remote.s32 $0x1  }
0xbe: {  	_ =	sfence.sel $0xFFFF  }
0xbf: {  	[dreg:$0x0] =	wrdreg $0xFFFFFFFF;
	(pc) =	sbr.abs _section_cstart, $3  }
0xc0: {  	[dreg:$0x1] =	wrdreg $0xFFFFFFFF  }
0xc1: {  	_ =	task.clear_ibuf [dreg:s6], $0x2FFFF;
	_ =	strace $0x9FFFFFFF  }
0xc2: {  	(tm) =	ssettm $0x7FFFFFFF  }
0xc3: {  	_ =	shalt  }
tec
execute0_lowered:
.L_overlay_start_1:
0x0: {  	(tag) =	ssettag $0x1  }
0x1: {  	s1 =	srdreg.scid;
	s6 =	rddreg [dreg:$0x0]  }
0x2: {  	s0 =	stileid.u32;
	s2 =	rddreg [dreg:$0x1]  }
0x3: {  	s15 =	simm.s32 $0x2800;
	s16 =	simm.s32 $0x5000;
	s17 =	simm.s32 $0x1  }
0x4: {  	s18 =	simm.s32 $0x0;
	s5 =	sand.u32 $0x1, s1;
	s26 =	smul.u32 $0x14000, s0  }
0x5: {  	s24 =	sshll.u32 s0, $0x1;
	s25 =	sshrl.u32 s0, $0x2;
	s28 =	smul.u32 $0x50000, s0  }
0x6: {  	s1 =	rddreg [dreg:$0x2];
	s31 =	sshll.u32 s0, $0x6;
	s4 =	smul.u32 $0x14000, s25  }
0x7: {  	s3 =	sor.u32 s5, s24;
	s10 =	smul.u32 $0x140000, s5;
	s5 =	ssub.s32 $0x2, s5  }
0x8: {  	s7 =	sshll.u32 s3, $0x7;
	s8 =	smul.u32 $0x500, s3;
	s3 =	simm.s32 $0x0  }
0x9: {  	s11 =	sshrl.u32 s26, $0x3;
	s29 =	sshrl.u32 s5, $0x1;
	s30 =	sshrl.u32 s28, $0x2  }
0xa: {  	s7 =	sand.u32 $0x380, s7;
	[smem:$0x7FF] =	sst s3;
	s11 =	sadd.s32 s11, s6  }
0xb: {  	s13 =	ssub.s32 s5, s29;
	s14 =	sadd.s32 s30, s2;
	s4 =	sor.u32 s4, s7  }
0xc: {  	_ =	strace $0x8000004D;
	s8 =	sadd.s32 s8, s6;
	s7 =	sadd.s32 s26, s10  }
0xd: {  	s5 =	sadd.s32 $0x48400, s11;
	s10 =	smax.u32 s13, $0x1;
	s11 =	sshrl.u32 s14, $0x3  }
0xe: {  	s13 =	simm.s32 $0x80;
	s14 =	simm.s32 $0x400;
	s9 =	sshrl.u32 s4, $0x3  }
0xf: {  	s4 =	sadd.s32 $0x20400, s6;
	s7 =	sshrl.u32 s7, $0x3;
	s8 =	sadd.s32 $0x2400, s8  }
0x10: {  	s9 =	sadd.s32 s9, s6;
	s12 =	sadd.s32 s7, s6;
	s6 =	sor.u32 $0x1C02, s31  }
0x11: {  	s7 =	sadd.s32 $0x16400, s9;
	s9 =	sadd.s32 $0x70400, s12;
	s12 =	simm.s32 $0x2  }
.LBB2_1:
0x12: {  	[spmem:s11], [sflag:s6] =	dma.local [hbm:s5], $0x2800  }
0x13: {  	_ =	swait.ge [sflag:s12], $0x2800  }
0x14: {  	[sflag:s12] =	ssyncset.done $0x0  }
0x15: {  	[sflag:s12] =	ssyncadd.s32 $0xFFFFD800  }
0x16: {  	[tilespmem:s3], [sflag:$0x2] =	stream.strided.gather [hbm4b:s7+s13], $0x2800, s14, s13, $0x38;
	[tilespmem:$0x1D000] =	vst v63  }
0x17: {  	_ =	swait.ge [sflag:s12], $0x2800  }
0x18: {  	[sflag:s12] =	ssyncset.done $0x0  }
0x19: {  	[sflag:s12] =	ssyncadd.s32 $0xFFFFD800  }
0x1a: {  	[tilespmem:s15], [sflag:$0x2] =	stream.linear.gather [hbm4b:s8+s3], $0x2800, $0x38;
	[tilespmem:$0x1D000] =	vst v63  }
0x1b: {  	_ =	swait.ge [sflag:s12], $0x2800  }
0x1c: {  	[sflag:s12] =	ssyncset.done $0x0  }
0x1d: {  	[sflag:s12] =	ssyncadd.s32 $0xFFFFD800  }
0x1e: {  	s19 =	simm.s32 $0x0;
	[bflag:$0x0] =	sbarrier.arrive $0xFFFF  }
0x1f: {  	[tilespmem:s16], [sflag:$0x1] =	stream.indirect.gather [hbm4b:s4+s13], $0x80, s19, s13, $0xb8;
	[tilespmem:$0x1D000] =	vst v63  }
0x20: {  	_ =	swait.ge [sflag:s17], $0x4000  }
0x21: {  	[sflag:s17] =	ssyncset.done $0x0  }
0x22: {  	s31 =	simm.s32 $0x2800;
	[sflag:s17] =	ssyncadd.s32 $0xFFFFC000  }
0x23: {  	[spmem:s2] =	stream.indirect.scatter.add.f32 [tilespmem:s16], [sflag:$0x2], $0x80, s31, s13, $0xb8;
	[tilespmem:$0x1D000] =	vst v63  }
0x24: {  	_ =	swait.ge [sflag:s12], $0x4000  }
0x25: {  	s20 =	simm.s32 $0x400;
	s19 =	simm.s32 $0x200;
	[sflag:s12] =	ssyncset.done $0x0  }
.LBB2_2:
0x26: {  	s21 =	sshra.s32 s19, $0x2  }
0x27: {  	[sflag:s12] =	ssyncadd.s32 $0xFFFFC000;
	s19 =	smov.u32 s20;
	s22 =	sadd.s32 $0x200, s20  }
0x28: {  	[tilespmem:s16], [sflag:$0x1] =	stream.indirect.gather [hbm4b:s4+s13], $0x80, s21, s13, $0xb8;
	[tilespmem:$0x1D000] =	vst v63  }
0x29: {  	p0 =	sne.s32 s20, $0x9E00;
	_ =	swait.ge [sflag:s17], $0x4000  }
.Ltmp0:
0x2a: {  	[sflag:s17] =	ssyncset.done $0x0;
	(pc) =	sbr.rel @p0 .LBB2_2-.Ltmp0, $4  }
0x2b: {  	s20 =	sadd.s32 $0x2800, s21;
	[sflag:s17] =	ssyncadd.s32 $0xFFFFC000  }
0x2c: {  	[spmem:s2] =	stream.indirect.scatter.add.f32 [tilespmem:s16], [sflag:$0x2], $0x80, s20, s13, $0xb8;
	[tilespmem:$0x1D000] =	vst v63  }
0x2d: {  	_ =	swait.ge [sflag:s12], $0x4000  }
0x2e: {  	s20 =	smov.u32 s22;
	[sflag:s12] =	ssyncset.done $0x0  }
0x2f: {  	s19 =	sshra.s32 s19, $0x2;
	[sflag:s12] =	ssyncadd.s32 $0xFFFFC000  }
0x30: {  	[tilespmem:s16], [sflag:$0x1] =	stream.indirect.gather [hbm4b:s4+s13], $0x80, s19, s13, $0xb8;
	[tilespmem:$0x1D000] =	vst v63  }
0x31: {  	_ =	swait.ge [sflag:s17], $0x4000  }
0x32: {  	[sflag:s17] =	ssyncset.done $0x0  }
0x33: {  	s19 =	sadd.s32 $0x2800, s19;
	[sflag:s17] =	ssyncadd.s32 $0xFFFFC000  }
0x34: {  	[spmem:s2] =	stream.indirect.scatter.add.f32 [tilespmem:s16], [sflag:$0x2], $0x80, s19, s13, $0xb8;
	[tilespmem:$0x1D000] =	vst v63  }
0x35: {  	_ =	swait.ge [sflag:s12], $0x4000  }
0x36: {  	s18 =	sadd.s32 $0x1, s18;
	[sflag:s12] =	ssyncset.done $0x0  }
0x37: {  	p0 =	sne.s32 s18, s10;
	[sflag:s12] =	ssyncadd.s32 $0xFFFFC000  }
.Ltmp1:
0x38: {  	[bflag:$0x0] =	sbarrier.arrive $0xFFFF;
	(pc) =	sbr.rel @p0 .LBB2_1-.Ltmp1, $4  }
0x39: {  	[hbm:s9], [sflag:s6] =	dma.local [spmem:s11], $0x2800  }
0x3a: {  	_ =	swait.ge [sflag:s12], $0x2800  }
0x3b: {  	[sflag:s12] =	ssyncset.done $0x0  }
0x3c: {  	[sflag:s12] =	ssyncadd.s32 $0xFFFFD800  }
0x3d: {  	_ =	sfence.sel $0x180000  }
0x3e: {  	[bflag:$0x0] =	sbarrier.arrive $0xFFFF  }
0x3f: {  	p0 =	sne.s32 s0, $0x0;
	_ =	strace $0x9000004D  }
0x40: {  	s0 =	sadd.s32 @!p0 $0x100000, s1;
	[bflag:$0x2] =	sbarrier.arrive $0xFFFF  }
0x41: {  	[sflag:s0] =	ssyncadd.tile.s32 @!p0 $0x1;
	_ =	shalt  }
.Lfunc_end2:
_tile_overlayer_lowered:
.L_overlay_start_2:
0x42: {  	(tag) =	ssettag $0x2  }
0x43: {  	s0 =	rddreg [dreg:$0x0];
	s2 =	stileid.u32  }
0x44: {  	s1 =	rddreg [dreg:$0x1];
	p0 =	sne.s32 s2, $0x0  }
0x45: {  	s3 =	rddreg [dreg:$0x2];
	[bflag:$0x3] =	sbarrier.arrive $0xFFFF;
	s2 =	simm.s32 @!p0 $0x1C02  }
0x46: {  	[timem:s3], [sflag:s2] =	dma.local @!p0 [hbm:s0], s1  }
0x47: {  	s0 =	simm.s32 @!p0 $0x2  }
0x48: {  	_ =	swait.ge @!p0 [sflag:s0], s1  }
0x49: {  	s1 =	ssub.s32 @!p0 $0x0, s1;
	[sflag:s0] =	ssyncset.done @!p0 $0x0  }
0x4a: {  	[sflag:s0] =	ssyncadd.s32 @!p0 s1  }
0x4b: {  	[bflag:$0x3] =	sbarrier.arrive $0xFFFF  }
0x4c: {  	_ =	shalt  }

// kernel: kernel.8.cloned.1.call-start
scs
__scs_entry_jumppad:
0x0: {  	(pc) =	sbr.rel $0x88, $3  }
0x1: {  	(tag) =	ssettag $0x0;
	lr =	simm.s32 $0x1  }
0x2: {  	[smem:$0x3F9B] =	sst lr;
	_ =	strace $0xD0000000  }
0x3: {  	_ = 	snop  }
0x4: {  	_ = 	snop  }
0x5: {  	_ = 	snop  }
0x6: {  	_ = 	snop  }
0x7: {  	_ = 	snop  }
__scs_overlays_trampoline_lowered:
0x8: {  	[smem:$0x3FAA] =	sst s0  }
0x9: {  	[smem:$0x3FAB] =	sst s1  }
0xa: {  	[smem:$0x3FAC] =	sst s2  }
0xb: {  	[smem:$0x3FAD] =	sst s3  }
0xc: {  	[smem:$0x3FAE] =	sst s4  }
0xd: {  	[smem:$0x3FAF] =	sst s5  }
0xe: {  	[smem:$0x3FB0] =	sst s6  }
0xf: {  	[smem:$0x3FB1] =	sst s7  }
0x10: {  	[smem:$0x3FB2] =	sst s8  }
0x11: {  	[smem:$0x3FB3] =	sst s9;
	s0 =	simm.s32 @!p0 $0x0  }
0x12: {  	s1 =	sld [smem:$0x3F99];
	s0 =	simm.s32 @p0 $0x1  }
0x13: {  	[smem:$0x3FB4] =	sst s0;
	s0 =	simm.s32 @!p1 $0x0  }
0x14: {  	s2 =	sld [smem:$0x3F98];
	s0 =	simm.s32 @p1 $0x1  }
0x15: {  	[smem:$0x3FB5] =	sst s0;
	s0 =	simm.s32 @!p2 $0x0  }
0x16: {  	s3 =	sld [smem:$0x3FDB];
	s0 =	simm.s32 @p2 $0x1  }
0x17: {  	s4 =	simm.s32 $0x1BF5;
	[smem:$0x3FB7] =	sst s0  }
0x18: {  	s0 =	sld [smem:$0x3F9A];
	_ =	swait.ge [sflag:s4], $0x0  }
0x19: {  	s7 =	sld [smem:$0x3F9B]  }
0x1a: {  	s8 =	sadd.s32 $0xFFFFE003, lr  }
0x1b: {  	s9 =	sadd.s32 $0xFFFFFEF7, lr;
	s5 =	simm.s32 $0xFFFFFFFF;
	p2 =	slt.u32 s8, $0xFFFFF086  }
0x1c: {  	p1 =	slt.u32 s9, $0xF7A;
	s5 =	simm.s32 @!p2 $0x0  }
0x1d: {  	s5 =	simm.s32 @p1 $0x1;
	p0 =	seq.s32 s7, s2  }
0x1e: {  	s7 =	smul.u32 @!p0 $0xF7A, s2;
	p2 =	seq.s32 @!p0 s5, $0x0  }
0x1f: {  	s9 =	smul.u32 $0xF7A, s1;
	s8 =	simm.s32 @!p0 $0x1BF5;
	p2 =	por !p2, p0  }
0x20: {  	[sflag:s8] =	ssyncset.s32 @!p0 $0xFFFFF086;
	s6 =	sadd.s32 @!p0 s3, s7;
	s7 =	simm.s32 @!p0 $0x108  }
0x21: {  	s3 =	sadd.s32 s3, s9;
	s6 =	sadd.s32 @!p0 $0x88, s6;
	s7 =	simm.s32 @p2 $0x1082  }
0x22: {  	[simem:s7], [sflag:s8] =	dma.local @!p0 [hbm:s6], $0xF7A  }
0x23: {  	s9 =	sor.u32 $0xD0000000, s2;
	s6 =	simm.s32 $0x108;
	_ =	swait.ge @!p0 [sflag:s8], $0x0  }
0x24: {  	s3 =	sadd.s32 $0x88, s3;
	s6 =	simm.s32 @!p1 $0x1082;
	[sflag:s4] =	ssyncset.s32 $0xFFFFF086  }
0x25: {  	[simem:s6], [sflag:s4] =	dma.local [hbm:s3], $0xF7A  }
0x26: {  	[smem:$0x3F9B] =	sst s1;
	(tag) =	ssettag s2;
	_ =	strace s9  }
0x27: {  	s1 =	sld [smem:$0x3FAB]  }
0x28: {  	s2 =	sld [smem:$0x3FAC]  }
0x29: {  	s4 =	sld [smem:$0x3FAE]  }
0x2a: {  	p0 =	seq.s32 s5, $0x0;
	s5 =	sld [smem:$0x3FAF]  }
0x2b: {  	s6 =	sld [smem:$0x3FB0]  }
0x2c: {  	s7 =	sld [smem:$0x3FB1]  }
0x2d: {  	s3 =	simm.s32 $0x108;
	s8 =	sld [smem:$0x3FB2]  }
0x2e: {  	s3 =	simm.s32 @!p0 $0x1082;
	s9 =	sld [smem:$0x3FB3]  }
0x2f: {  	lr =	sadd.s32 s0, s3;
	s0 =	sld [smem:$0x3FAA]  }
0x30: {  	s3 =	sld [smem:$0x3FAD]  }
0x31: {  	[smem:$0x3FB6] =	sst s10  }
0x32: {  	s10 =	sld [smem:$0x3FB4];
	_ =	sdelay $0x3  }
0x33: {  	p0 =	seq.s32 s10, $0x1;
	s10 =	sld [smem:$0x3FB6];
	_ =	sdelay $0x3  }
0x34: {  	[smem:$0x3FB6] =	sst s10  }
0x35: {  	s10 =	sld [smem:$0x3FB5];
	_ =	sdelay $0x3  }
0x36: {  	p1 =	seq.s32 s10, $0x1;
	s10 =	sld [smem:$0x3FB6];
	_ =	sdelay $0x3  }
0x37: {  	[smem:$0x3FB6] =	sst s10  }
0x38: {  	s10 =	sld [smem:$0x3FB7]  }
0x39: {  	_ = 	snop;
	(pc) =	sbr.ind lr, $3  }
0x3a: {  	_ = 	snop  }
0x3b: {  	_ = 	snop  }
0x3c: {  	p2 =	seq.s32 s10, $0x1;
	s10 =	sld [smem:$0x3FB6]  }
0x3d: {  	_ =	shalt  }
0x3e: {  	_ =	shalt  }
0x3f: {  	_ =	shalt  }
0x40: {  	_ =	shalt  }
0x41: {  	_ =	shalt  }
0x42: {  	_ =	shalt  }
0x43: {  	_ =	shalt  }
0x44: {  	_ =	shalt  }
0x45: {  	_ =	shalt  }
0x46: {  	_ =	shalt  }
0x47: {  	_ =	shalt  }
0x48: {  	_ =	shalt  }
0x49: {  	_ =	shalt  }
0x4a: {  	_ =	shalt  }
0x4b: {  	_ =	shalt  }
0x4c: {  	_ =	shalt  }
0x4d: {  	_ =	shalt  }
0x4e: {  	_ =	shalt  }
0x4f: {  	_ =	shalt  }
0x50: {  	_ =	shalt  }
0x51: {  	_ =	shalt  }
0x52: {  	_ =	shalt  }
0x53: {  	_ =	shalt  }
0x54: {  	_ =	shalt  }
0x55: {  	_ =	shalt  }
0x56: {  	_ =	shalt  }
0x57: {  	_ =	shalt  }
0x58: {  	_ =	shalt  }
0x59: {  	_ =	shalt  }
0x5a: {  	_ =	shalt  }
0x5b: {  	_ =	shalt  }
0x5c: {  	_ =	shalt  }
0x5d: {  	_ =	shalt  }
0x5e: {  	_ =	shalt  }
0x5f: {  	_ =	shalt  }
0x60: {  	_ =	shalt  }
0x61: {  	_ =	shalt  }
0x62: {  	_ =	shalt  }
0x63: {  	_ =	shalt  }
0x64: {  	_ =	shalt  }
0x65: {  	_ =	shalt  }
0x66: {  	_ =	shalt  }
0x67: {  	_ =	shalt  }
0x68: {  	_ =	shalt  }
0x69: {  	_ =	shalt  }
0x6a: {  	_ =	shalt  }
0x6b: {  	_ =	shalt  }
0x6c: {  	_ =	shalt  }
0x6d: {  	_ =	shalt  }
0x6e: {  	_ =	shalt  }
0x6f: {  	_ =	shalt  }
0x70: {  	_ =	shalt  }
0x71: {  	_ =	shalt  }
0x72: {  	_ =	shalt  }
0x73: {  	_ =	shalt  }
0x74: {  	_ =	shalt  }
0x75: {  	_ =	shalt  }
0x76: {  	_ =	shalt  }
0x77: {  	_ =	shalt  }
0x78: {  	_ =	shalt  }
0x79: {  	_ =	shalt  }
0x7a: {  	_ =	shalt  }
0x7b: {  	_ =	shalt  }
0x7c: {  	_ =	shalt  }
0x7d: {  	_ =	shalt  }
0x7e: {  	_ =	shalt  }
0x7f: {  	_ =	shalt  }
0x80: {  	_ =	shalt  }
0x81: {  	_ =	shalt  }
0x82: {  	_ =	shalt  }
0x83: {  	_ =	shalt  }
0x84: {  	_ =	shalt  }
0x85: {  	_ =	shalt  }
0x86: {  	_ =	shalt  }
0x87: {  	_ =	shalt  }
.Lfunc_end0:
.L_simem_size_0:
called_computation_lowered:
.L_overlay_start_0:
0x88: {  	s2 =	sld [smem:$0x3FD9]  }
0x89: {  	s3 =	sld [smem:$0x3FFE];
	_ =	sdelay $0x1  }
0x8a: {  	s1 =	srdreg.scid  }
0x8b: {  	s0 =	sand.u32 $0x1, s1  }
0x8c: {  	s17 =	sshll.u32 s0, $0xA;
	s2 =	sadd.s32 s3, s2  }
0x8d: {  	s2 =	sadd.s32 s2, s17  }
0x8e: {  	[smem:$0x3FC2] =	sst s2  }
0x8f: {  	_ = 	snop  }
0x90: {  	s2 =	sld [smem:$0x3FD0];
	(tm) =	ssettm $0x1  }
0x91: {  	s18 =	sld [smem:$0x3FFB];
	_ =	sdelay $0x3  }
0x92: {  	_ =	strace s18  }
0x93: {  	s3 =	sld [smem:$0x3FFC];
	_ =	sdelay $0x3  }
0x94: {  	_ =	strace s3  }
0x95: {  	s3 =	sld [smem:$0x3FFD];
	_ =	sdelay $0x3  }
0x96: {  	_ =	strace s3  }
0x97: {  	_ =	strace $0x8FFFFFFF  }
0x98: {  	s19 =	sld [smem:$0x3FDB];
	_ =	sdelay $0x1  }
0x99: {  	s4 =	simm.s32 $_scs_section_size  }
0x9a: {  	s5 =	simm.s32 $_size__tile_overlayer_lowered;
	s6 =	simm.s32 $_tile_overlayer_lowered  }
0x9b: {  	s22 =	simm.s32 $0x1BFF;
	s21 =	sshll.u32 s6, $0x1;
	s3 =	sadd.s32 s4, s19  }
0x9c: {  	s7 =	simm.s32 $0x0;
	s20 =	sshll.u32 s5, $0x1;
	s5 =	sadd.s32 s21, s3  }
0x9d: {  	[timem:s7], [sflag:s22] =	dma.local [hbm:s5], s20  }
0x9e: {  	_ =	swait.ge [sflag:s22], s20  }
0x9f: {  	s4 =	ssub.s32 $0x0, s20;
	[sflag:s22] =	ssyncset.done $0x0  }
0xa0: {  	[sflag:s22] =	ssyncadd.s32 s4;
	_ =	sdelay $0x1  }
0xa1: {  	s23 =	simm.s32 $0x1B8B  }
0xa2: {  	_ =	swait.ge [sflag:s23], $0x1  }
0xa3: {  	[sflag:s23] =	ssyncset.done $0x0  }
0xa4: {  	s25 =	simm.s32 $0x1B8E;
	s24 =	sld [smem:$0x3FFE];
	[sflag:s23] =	ssyncadd.s32 $0xFFFFFFFF  }
0xa5: {  	s26 =	simm.s32 $execute0_lowered;
	[smem:$0x3FD2] =	sst s25  }
0xa6: {  	s5 =	sshll.u32 s26, $0x1;
	_ =	strace $0x80000046;
	[dreg:$0x1] =	wrdreg $0xFFFFFFFF  }
0xa7: {  	s28 =	simm.s32 $_size_execute0_lowered;
	s3 =	sadd.s32 s3, s5;
	[dreg:$0x0] =	wrdreg $0x0  }
0xa8: {  	s5 =	sshll.u32 s28, $0x1;
	[dreg:$0x2] =	wrdreg s3  }
0xa9: {  	[dreg:$0x3] =	wrdreg s5  }
0xaa: {  	[dreg:$0x4] =	wrdreg $0xC0  }
0xab: {  	_ =	task [dreg:s7], $0x5FFFF  }
0xac: {  	[dreg:$0x1] =	wrdreg $0xFFFFFFFF  }
0xad: {  	[dreg:$0x0] =	wrdreg $0x60  }
0xae: {  	[dreg:$0x2] =	wrdreg s2  }
0xaf: {  	[dreg:$0x3] =	wrdreg s24  }
0xb0: {  	[dreg:$0x4] =	wrdreg $0x9  }
0xb1: {  	_ =	task.clear_ibuf [dreg:s7], $0x5FFFF;
	_ =	strace $0x90000046  }
0xb2: {  	s29 =	simm.s32 $0x9;
	_ =	strace $0x80000048  }
0xb3: {  	_ =	swait.ge [sflag:s29], $0x1  }
0xb4: {  	[sflag:s29] =	ssyncadd.s32 $0xFFFFFFFF  }
0xb5: {  	_ =	strace $0x90000048  }
0xb6: {  	_ =	sfence  }
0xb7: {  	s30 =	sld [smem:$0x0];
	_ =	sdelay $0x2  }
0xb8: {  	s31 =	sshll.u32 s1, $0xD;
	s1 =	sshrl.u32 s1, $0x2  }
0xb9: {  	s3 =	sand.u32 $0x4000, s31;
	s1 =	sadd.s32 s1, s30  }
0xba: {  	s0 =	sor.u32 s3, s0;
	s1 =	sshll.u32 s1, $0x11  }
0xbb: {  	s0 =	sor.u32 s1, s0  }
0xbc: {  	s0 =	sadd.s32 $0x8F2B, s0  }
0xbd: {  	[sflag:s0] =	ssyncadd.remote.s32 $0x1  }
0xbe: {  	_ =	sfence.sel $0xFFFF  }
0xbf: {  	[dreg:$0x0] =	wrdreg $0xFFFFFFFF;
	(pc) =	sbr.abs _section_cstart, $3  }
0xc0: {  	[dreg:$0x1] =	wrdreg $0xFFFFFFFF  }
0xc1: {  	_ =	task.clear_ibuf [dreg:s7], $0x2FFFF;
	_ =	strace $0x9FFFFFFF  }
0xc2: {  	(tm) =	ssettm $0x7FFFFFFF  }
0xc3: {  	_ =	shalt  }
tec
execute0_lowered:
.L_overlay_start_1:
0x0: {  	(tag) =	ssettag $0x1  }
0x1: {  	s3 =	rddreg [dreg:$0x0]  }
0x2: {  	s1 =	srdreg.scid;
	s0 =	stileid.u32  }
0x3: {  	s4 =	rddreg [dreg:$0x1];
	s9 =	simm.s32 $0x2800;
	s10 =	simm.s32 $0x0  }
0x4: {  	s5 =	sand.u32 $0x1, s1;
	s2 =	sshll.u32 s0, $0x1;
	s1 =	rddreg [dreg:$0x2]  }
0x5: {  	s7 =	sshrl.u32 s0, $0x2;
	s6 =	sor.u32 s5, s2;
	s2 =	simm.s32 $0x0  }
0x6: {  	s7 =	smul.u32 $0x14000, s7;
	s5 =	ssub.s32 $0x2, s5;
	s8 =	sshll.u32 s6, $0x7  }
0x7: {  	[smem:$0x7FF] =	sst s2;
	s6 =	smul.u32 $0x500, s6;
	s31 =	sshrl.u32 s5, $0x1  }
0x8: {  	s8 =	sand.u32 $0x380, s8;
	_ =	strace $0x80000047;
	s5 =	ssub.s32 s5, s31  }
0x9: {  	s7 =	sor.u32 s7, s8;
	s4 =	sadd.s32 s6, s4;
	s5 =	smax.u32 s5, $0x1  }
0xa: {  	s6 =	simm.s32 $0x80;
	s8 =	simm.s32 $0x1;
	s7 =	sshrl.u32 s7, $0x3  }
0xb: {  	v0 =	vimm.f32 $0.0e+00;
	v1 =	vimm.f32 $1.000000000e+00;
	s4 =	sadd.s32 $0xC400, s4;
	s3 =	sadd.s32 s3, s7;
	s7 =	simm.s32 $0x400  }
.LBB2_1:
0xc: {  	s11 =	simm.s32 $0x40;
	s12 =	simm.s32 $0x0  }
.LBB2_2:
0xd: {  	p0 =	sne.s32 s11, $0x9FC0;
	[tilespmem:s12+$0x2800] =	vst v0;
	s12 =	smov.u32 s11;
	s11 =	sadd.s32 $0x40, s11  }
.Ltmp0:
0xe: {  	(pc) =	sbr.rel @p0 .LBB2_2-.Ltmp0, $2  }
0xf: {  	_ =	sdelay $0x2  }
0x10: {  	s12 =	sshra.s32 s12, $0x2  }
0x11: {  	[tilespmem:s12+$0x2800] =	vst v0;
	s11 =	simm.s32 $0x0  }
0x12: {  	[tilespmem:s11], [sflag:$0x1] =	stream.strided.gather [hbm4b:s3+s6], $0x2800, s7, s6, $0x38;
	[tilespmem:$0x5000] =	vst v63  }
0x13: {  	_ =	swait.ge [sflag:s8], $0x2800  }
0x14: {  	[sflag:s8] =	ssyncset.done $0x0  }
0x15: {  	s12 =	simm.s32 $0x0;
	s11 =	simm.s32 $0x40;
	[sflag:s8] =	ssyncadd.s32 $0xFFFFD800  }
.LBB2_4:
0x16: {  	p0 =	sne.s32 s11, $0x9FC0;
	v2 =	vld [tilespmem:s12+$0x0];
	_ =	sdelay $0x3  }
.Ltmp1:
0x17: {  	(pc) =	sbr.rel @p0 .LBB2_4-.Ltmp1, $2  }
0x18: {  	_ =	sdelay $0x2  }
0x19: {  	s12 =	sshra.s32 s11, $0x2;
	s11 =	sadd.s32 $0x40, s11;
	[tilespmem:v2+s9+$0x0] =	vst.idx.add.f32.msk $0xffff, v1  }
0x1a: {  	v2 =	vld [tilespmem:s12+$0x0];
	_ =	sdelay $0x5  }
0x1b: {  	s10 =	sadd.s32 $0x1, s10  }
0x1c: {  	p0 =	sne.s32 s10, s5  }
.Ltmp2:
0x1d: {  	[tilespmem:v2+s9+$0x0] =	vst.idx.add.f32.msk $0xffff, v1;
	(pc) =	sbr.rel @p0 .LBB2_1-.Ltmp2, $4  }
0x1e: {  	[hbm4b:s4+s2] =	stream.linear.scatter [tilespmem:s9], [sflag:$0x1], $0x2800, $0x38;
	[tilespmem:$0x5000] =	vst v63  }
0x1f: {  	_ =	swait.ge [sflag:s8], $0x2800  }
0x20: {  	[sflag:s8] =	ssyncset.done $0x0  }
0x21: {  	[sflag:s8] =	ssyncadd.s32 $0xFFFFD800  }
0x22: {  	_ =	sfence.sel $0x180000  }
0x23: {  	[bflag:$0x0] =	sbarrier.arrive $0xFFFF  }
0x24: {  	p0 =	sne.s32 s0, $0x0;
	_ =	strace $0x90000047  }
0x25: {  	s0 =	sadd.s32 @!p0 $0x100000, s1;
	[bflag:$0x2] =	sbarrier.arrive $0xFFFF  }
0x26: {  	[sflag:s0] =	ssyncadd.tile.s32 @!p0 $0x1;
	_ =	shalt  }
.Lfunc_end2:
_tile_overlayer_lowered:
.L_overlay_start_2:
0x27: {  	(tag) =	ssettag $0x2  }
0x28: {  	s0 =	rddreg [dreg:$0x0];
	s2 =	stileid.u32  }
0x29: {  	s1 =	rddreg [dreg:$0x1];
	p0 =	sne.s32 s2, $0x0  }
0x2a: {  	s3 =	rddreg [dreg:$0x2];
	[bflag:$0x3] =	sbarrier.arrive $0xFFFF;
	s2 =	simm.s32 @!p0 $0x1C01  }
0x2b: {  	[timem:s3], [sflag:s2] =	dma.local @!p0 [hbm:s0], s1  }
0x2c: {  	s0 =	simm.s32 @!p0 $0x1  }
0x2d: {  	_ =	swait.ge @!p0 [sflag:s0], s1  }
0x2e: {  	s1 =	ssub.s32 @!p0 $0x0, s1;
	[sflag:s0] =	ssyncset.done @!p0 $0x0  }
0x2f: {  	[sflag:s0] =	ssyncadd.s32 @!p0 s1  }
0x30: {  	[bflag:$0x3] =	sbarrier.arrive $0xFFFF  }
0x31: {  	_ =	shalt  }

</sc_bundles>
